<compile_context>
chip_gen: v7x
topology: tpu7x:2x2x1
jax: 0.10.2.dev20260603
libtpu: 0.0.44.dev20260713+nightly
codegen_flags: <defaults>
</compile_context>

<pallas_src>
import functools

import jax
import jax.numpy as jnp
from jax import lax
from jax.experimental import pallas as pl
from jax.experimental.pallas import tpu as pltpu
from jax.experimental.pallas import tpu_sc as plsc

BATCH = 16384
D_EMB = 128
CHUNKS = (8192, 8192)

_NUM_CORES = 2
_NUM_SUBCORES = 16
_NUM_WORKERS = _NUM_CORES * _NUM_SUBCORES
_CHUNK = 128


@functools.cache
def _make_sc_gather(offset, size):
    bpw = size // _NUM_WORKERS
    nchunk = bpw // _CHUNK
    mesh = plsc.VectorSubcoreMesh(core_axis_name="c", subcore_axis_name="s")

    @functools.partial(
        pl.kernel,
        mesh=mesh,
        out_type=(
            jax.ShapeDtypeStruct((size, D_EMB), jnp.float32),
            jax.ShapeDtypeStruct((size, D_EMB), jnp.float32),
        ),
        scratch_types=[
            pltpu.VMEM((bpw,), jnp.int32),
            pltpu.VMEM((bpw,), jnp.int32),
            pltpu.VMEM((bpw, D_EMB), jnp.float32),
            pltpu.VMEM((bpw, D_EMB), jnp.float32),
            pltpu.SemaphoreType.DMA,
            pltpu.SemaphoreType.DMA,
        ],
    )
    def _sc_gather(users_hbm, movies_hbm, ut_hbm, mt_hbm, u_out, m_out,
                   uidx_v, midx_v, urows_v, mrows_v, usem, msem):
        wid = lax.axis_index("s") * _NUM_CORES + lax.axis_index("c")
        base = wid * bpw
        src_base = offset + wid * bpw
        pltpu.sync_copy(users_hbm.at[pl.ds(src_base, bpw)], uidx_v)
        pltpu.sync_copy(movies_hbm.at[pl.ds(src_base, bpw)], midx_v)

        def fire(table_hbm, idx_v, rows_v, sem):
            return [
                pltpu.async_copy(
                    table_hbm.at[idx_v.at[pl.ds(j * _CHUNK, _CHUNK)]],
                    rows_v.at[pl.ds(j * _CHUNK, _CHUNK)],
                    sem,
                )
                for j in range(nchunk)
            ]

        ucopies = fire(ut_hbm, uidx_v, urows_v, usem)
        mcopies = fire(mt_hbm, midx_v, mrows_v, msem)
        for cp in ucopies:
            cp.wait()
        pltpu.sync_copy(urows_v, u_out.at[pl.ds(base, bpw)])
        for cp in mcopies:
            cp.wait()
        pltpu.sync_copy(mrows_v, m_out.at[pl.ds(base, bpw)])

    return _sc_gather


_BB = 2048


def _mlp_body(u_ref, m_ref, w0_ref, b0_ref, w1_ref, b1_ref,
              wout_ref, bout_ref, o_ref):
    bf = jnp.bfloat16
    x = jnp.concatenate([u_ref[...], m_ref[...]], axis=1).astype(bf)
    h0 = jnp.dot(x, w0_ref[...], preferred_element_type=jnp.float32)
    h0 = jnp.maximum(h0 + b0_ref[...], 0.0).astype(bf)
    h1 = jnp.dot(h0, w1_ref[...], preferred_element_type=jnp.float32)
    h1 = jnp.maximum(h1 + b1_ref[...], 0.0).astype(bf)
    out = lax.dot_general(wout_ref[...], h1,
                          (((1,), (1,)), ((), ())),
                          preferred_element_type=jnp.float32)
    o_ref[...] = out + bout_ref[...]


def _mlp(u_emb, m_emb, W0, b0, W1, b1, Wout, bout):
    size = u_emb.shape[0]
    h0_dim = W0.shape[1]
    h1_dim = W1.shape[1]
    grid = (size // _BB,)
    return pl.pallas_call(
        _mlp_body,
        grid=grid,
        in_specs=[
            pl.BlockSpec((_BB, D_EMB), lambda i: (i, 0)),
            pl.BlockSpec((_BB, D_EMB), lambda i: (i, 0)),
            pl.BlockSpec((2 * D_EMB, h0_dim), lambda i: (0, 0)),
            pl.BlockSpec((1, h0_dim), lambda i: (0, 0)),
            pl.BlockSpec((h0_dim, h1_dim), lambda i: (0, 0)),
            pl.BlockSpec((1, h1_dim), lambda i: (0, 0)),
            pl.BlockSpec((1, h1_dim), lambda i: (0, 0)),
            pl.BlockSpec((1, 1), lambda i: (0, 0)),
        ],
        out_specs=pl.BlockSpec((1, _BB), lambda i: (0, i)),
        out_shape=jax.ShapeDtypeStruct((1, size), jnp.float32),
        compiler_params=pltpu.CompilerParams(
            dimension_semantics=("parallel",),
        ),
    )(u_emb, m_emb, W0, b0, W1, b1, Wout, bout)


def kernel(users, movies, user_table, movie_table, W0, b0, W1, b1, Wout, bout):
    users = users.astype(jnp.int32)
    movies = movies.astype(jnp.int32)
    W0 = W0.astype(jnp.bfloat16)
    W1 = W1.astype(jnp.bfloat16)
    Wout = Wout.astype(jnp.bfloat16).reshape(1, -1)
    b0 = b0.reshape(1, -1)
    b1 = b1.reshape(1, -1)
    bout = bout.reshape(1, 1)
    outs = []
    offset = 0
    for size in CHUNKS:
        u_emb, m_emb = _make_sc_gather(offset, size)(
            users, movies, user_table, movie_table)
        outs.append(_mlp(u_emb, m_emb, W0, b0, W1, b1, Wout, bout))
        offset += size
    return jnp.concatenate(outs, axis=1).reshape(BATCH, 1)

# --- scband reference (transcript-rebuilt; emitter-appended) ---
"""Pipeline reference for scband-embeddings-net-47510928228642 (READ-ONLY COPY).

The authoritative reference and input builder live on the scoring server;
editing this copy changes nothing except your own understanding.
"""

import jax, jax.numpy as jnp
import numpy as np

N_USERS = 100000
N_MOVIES = 100000
LAYERS = [128, 256, 512]
BATCH = 16384

def setup_inputs(seed: int = 0) -> dict:
    key = jax.random.key(seed)
    ks = jax.random.split(key, 10)
    users = jax.random.randint(ks[0], (BATCH,), 0, N_USERS)
    movies = jax.random.randint(ks[1], (BATCH,), 0, N_MOVIES)
    user_table = jax.random.normal(ks[2], (N_USERS, LAYERS[0]), dtype=jnp.float32) * 0.02
    movie_table = jax.random.normal(ks[3], (N_MOVIES, LAYERS[0]), dtype=jnp.float32) * 0.02
    # hidden layers: Linear(n_in*2, n_out*2) for (n_in, n_out) in zip(layers[:-1], layers[1:])
    # -> (256 -> 512), (512 -> 1024)
    W0 = jax.random.normal(ks[4], (LAYERS[0] * 2, LAYERS[1] * 2), dtype=jnp.float32) * 0.02
    b0 = jnp.zeros((LAYERS[1] * 2,), dtype=jnp.float32)
    W1 = jax.random.normal(ks[5], (LAYERS[1] * 2, LAYERS[2] * 2), dtype=jnp.float32) * 0.02
    b1 = jnp.zeros((LAYERS[2] * 2,), dtype=jnp.float32)
    # output: Linear(layers[-1]*2, 1) -> (1024 -> 1)
    Wout = jax.random.normal(ks[6], (LAYERS[2] * 2, 1), dtype=jnp.float32) * 0.02
    bout = jnp.zeros((1,), dtype=jnp.float32)
    return {"users": users, "movies": movies, "user_table": user_table,
            "movie_table": movie_table, "W0": W0, "b0": b0, "W1": W1,
            "b1": b1, "Wout": Wout, "bout": bout}

def reference(users, movies, user_table, movie_table, W0, b0, W1, b1, Wout, bout):
    # embedding lookups (SparseCore gathers)
    user_embeds = jnp.take(user_table, users, axis=0)
    movie_embeds = jnp.take(movie_table, movies, axis=0)
    x = jnp.concatenate([user_embeds, movie_embeds], axis=1)
    # MLP tower (dropout is identity at inference)
    x = jax.nn.relu(x @ W0 + b0)
    x = jax.nn.relu(x @ W1 + b1)
    x = x @ Wout + bout
    return x

if __name__ == "__main__":
    import jax
    _d = setup_inputs()
    print(jax.jit(kernel)(*tuple(_d.values())))

</pallas_src>

<mosaic_0001>
#map = affine_map<(d0, d1) -> (0)>
#map1 = affine_map<(d0, d1) -> (0, 0)>
module attributes {stable_mosaic.version = 14 : i64} {
  func.func @_sc_gather(%arg0: i32, %arg1: i32, %arg2: memref<16384xi32, #tpu.memory_space<hbm>>, %arg3: memref<16384xi32, #tpu.memory_space<hbm>>, %arg4: memref<100000x128xf32, #tpu.memory_space<hbm>>, %arg5: memref<100000x128xf32, #tpu.memory_space<hbm>>, %arg6: memref<8192x128xf32, #tpu.memory_space<hbm>>, %arg7: memref<8192x128xf32, #tpu.memory_space<hbm>>, %arg8: memref<256xi32, #tpu.memory_space<vmem>>, %arg9: memref<256xi32, #tpu.memory_space<vmem>>, %arg10: memref<256x128xf32, #tpu.memory_space<vmem>>, %arg11: memref<256x128xf32, #tpu.memory_space<vmem>>, %arg12: memref<!tpu.dma_semaphore, #tpu.memory_space<semaphore_mem>>, %arg13: memref<!tpu.dma_semaphore, #tpu.memory_space<semaphore_mem>>) attributes {dimension_semantics = [#tpu.dimension_semantics<core_parallel>, #tpu.dimension_semantics<subcore_parallel>], iteration_bounds = array<i64: 2, 16>, scalar_prefetch = 0 : i64, scratch_operands = 6 : i64, tpu.core_type = #tpu.core_type<sc_vector_subcore>, window_params = [{transform_indices = #map}, {transform_indices = #map}, {transform_indices = #map1}, {transform_indices = #map1}, {transform_indices = #map1}, {transform_indices = #map1}]} {
    %mul3A = arith.constant 2 : i32
    %mul3A_0 = arith.muli %arg1, %mul3A : i32
    %add3A = arith.addi %mul3A_0, %arg0 : i32
    %mul3A_1 = arith.constant 256 : i32
    %mul3A_2 = arith.muli %add3A, %mul3A_1 : i32
    %mul3A_3 = arith.constant 256 : i32
    %mul3A_4 = arith.muli %add3A, %mul3A_3 : i32
    %add3A_5 = arith.constant 8192 : i32
    %add3A_6 = arith.addi %add3A_5, %mul3A_4 : i32
    "tpu.region"() ({
      %run_scoped3A = tpu.sem_alloc : memref<!tpu.dma_semaphore, #tpu.memory_space<semaphore_mem>>
      %dma_start3A_69 = tpu.memref_slice %arg2[%add3A_6] : memref<16384xi32, #tpu.memory_space<hbm>> -> memref<256xi32, #tpu.memory_space<hbm>>
      %dma_start3A_70 = tpu.memref_slice %arg2[%add3A_6] : memref<16384xi32, #tpu.memory_space<hbm>> -> memref<256xi32, #tpu.memory_space<hbm>>
      tpu.enqueue_dma source(%dma_start3A_70 : memref<256xi32, #tpu.memory_space<hbm>>) target(%arg8 : memref<256xi32, #tpu.memory_space<vmem>>) target_semaphore(%run_scoped3A : memref<!tpu.dma_semaphore, #tpu.memory_space<semaphore_mem>>)
      %dma_wait3A_71 = tpu.memref_slice %arg2[%add3A_6] : memref<16384xi32, #tpu.memory_space<hbm>> -> memref<256xi32, #tpu.memory_space<hbm>>
      %dma_wait3A_72 = tpu.memref_slice %arg2[%add3A_6] : memref<16384xi32, #tpu.memory_space<hbm>> -> memref<256xi32, #tpu.memory_space<hbm>>
      tpu.wait_dma2 semaphore(%run_scoped3A : memref<!tpu.dma_semaphore, #tpu.memory_space<semaphore_mem>>) src(%dma_wait3A_72 : memref<256xi32, #tpu.memory_space<hbm>>) dst(%arg8 : memref<256xi32, #tpu.memory_space<vmem>>)
      tpu.yield
    }) : () -> ()
    "tpu.region"() ({
      %run_scoped3A = tpu.sem_alloc : memref<!tpu.dma_semaphore, #tpu.memory_space<semaphore_mem>>
      %dma_start3A_69 = tpu.memref_slice %arg3[%add3A_6] : memref<16384xi32, #tpu.memory_space<hbm>> -> memref<256xi32, #tpu.memory_space<hbm>>
      %dma_start3A_70 = tpu.memref_slice %arg3[%add3A_6] : memref<16384xi32, #tpu.memory_space<hbm>> -> memref<256xi32, #tpu.memory_space<hbm>>
      tpu.enqueue_dma source(%dma_start3A_70 : memref<256xi32, #tpu.memory_space<hbm>>) target(%arg9 : memref<256xi32, #tpu.memory_space<vmem>>) target_semaphore(%run_scoped3A : memref<!tpu.dma_semaphore, #tpu.memory_space<semaphore_mem>>)
      %dma_wait3A_71 = tpu.memref_slice %arg3[%add3A_6] : memref<16384xi32, #tpu.memory_space<hbm>> -> memref<256xi32, #tpu.memory_space<hbm>>
      %dma_wait3A_72 = tpu.memref_slice %arg3[%add3A_6] : memref<16384xi32, #tpu.memory_space<hbm>> -> memref<256xi32, #tpu.memory_space<hbm>>
      tpu.wait_dma2 semaphore(%run_scoped3A : memref<!tpu.dma_semaphore, #tpu.memory_space<semaphore_mem>>) src(%dma_wait3A_72 : memref<256xi32, #tpu.memory_space<hbm>>) dst(%arg9 : memref<256xi32, #tpu.memory_space<vmem>>)
      tpu.yield
    }) : () -> ()
    %dma_start3A = arith.constant 0 : i32
    %dma_start3A_7 = arith.constant 0 : i32
    %dma_start3A_8 = tpu.memref_slice %arg10[%dma_start3A, %dma_start3A_7] : memref<256x128xf32, #tpu.memory_space<vmem>> -> memref<128x128xf32, #tpu.memory_space<vmem>>
    %dma_start3A_9 = arith.constant 0 : i32
    %dma_start3A_10 = tpu.memref_slice %arg8[%dma_start3A_9] : memref<256xi32, #tpu.memory_space<vmem>> -> memref<128xi32, #tpu.memory_space<vmem>>
    %dma_start3A_11 = arith.constant 0 : i32
    %dma_start3A_12 = arith.constant 0 : i32
    %dma_start3A_13 = tpu.memref_slice %arg4[%dma_start3A_11, %dma_start3A_12] : memref<100000x128xf32, #tpu.memory_space<hbm>> -> memref<100000x128xf32, #tpu.memory_space<hbm>>
    tpu.enqueue_indirect_dma source(%dma_start3A_13 : memref<100000x128xf32, #tpu.memory_space<hbm>>) target(%dma_start3A_8 : memref<128x128xf32, #tpu.memory_space<vmem>>) offsets(%dma_start3A_10 : memref<128xi32, #tpu.memory_space<vmem>>) semaphore(%arg12 : memref<!tpu.dma_semaphore, #tpu.memory_space<semaphore_mem>>)
    %dma_start3A_14 = arith.constant 128 : i32
    %dma_start3A_15 = arith.constant 0 : i32
    %dma_start3A_16 = tpu.memref_slice %arg10[%dma_start3A_14, %dma_start3A_15] : memref<256x128xf32, #tpu.memory_space<vmem>> -> memref<128x128xf32, #tpu.memory_space<vmem>>
    %dma_start3A_17 = arith.constant 128 : i32
    %dma_start3A_18 = tpu.memref_slice %arg8[%dma_start3A_17] : memref<256xi32, #tpu.memory_space<vmem>> -> memref<128xi32, #tpu.memory_space<vmem>>
    %dma_start3A_19 = arith.constant 0 : i32
    %dma_start3A_20 = arith.constant 0 : i32
    %dma_start3A_21 = tpu.memref_slice %arg4[%dma_start3A_19, %dma_start3A_20] : memref<100000x128xf32, #tpu.memory_space<hbm>> -> memref<100000x128xf32, #tpu.memory_space<hbm>>
    tpu.enqueue_indirect_dma source(%dma_start3A_21 : memref<100000x128xf32, #tpu.memory_space<hbm>>) target(%dma_start3A_16 : memref<128x128xf32, #tpu.memory_space<vmem>>) offsets(%dma_start3A_18 : memref<128xi32, #tpu.memory_space<vmem>>) semaphore(%arg12 : memref<!tpu.dma_semaphore, #tpu.memory_space<semaphore_mem>>)
    %dma_start3A_22 = arith.constant 0 : i32
    %dma_start3A_23 = arith.constant 0 : i32
    %dma_start3A_24 = tpu.memref_slice %arg11[%dma_start3A_22, %dma_start3A_23] : memref<256x128xf32, #tpu.memory_space<vmem>> -> memref<128x128xf32, #tpu.memory_space<vmem>>
    %dma_start3A_25 = arith.constant 0 : i32
    %dma_start3A_26 = tpu.memref_slice %arg9[%dma_start3A_25] : memref<256xi32, #tpu.memory_space<vmem>> -> memref<128xi32, #tpu.memory_space<vmem>>
    %dma_start3A_27 = arith.constant 0 : i32
    %dma_start3A_28 = arith.constant 0 : i32
    %dma_start3A_29 = tpu.memref_slice %arg5[%dma_start3A_27, %dma_start3A_28] : memref<100000x128xf32, #tpu.memory_space<hbm>> -> memref<100000x128xf32, #tpu.memory_space<hbm>>
    tpu.enqueue_indirect_dma source(%dma_start3A_29 : memref<100000x128xf32, #tpu.memory_space<hbm>>) target(%dma_start3A_24 : memref<128x128xf32, #tpu.memory_space<vmem>>) offsets(%dma_start3A_26 : memref<128xi32, #tpu.memory_space<vmem>>) semaphore(%arg13 : memref<!tpu.dma_semaphore, #tpu.memory_space<semaphore_mem>>)
    %dma_start3A_30 = arith.constant 128 : i32
    %dma_start3A_31 = arith.constant 0 : i32
    %dma_start3A_32 = tpu.memref_slice %arg11[%dma_start3A_30, %dma_start3A_31] : memref<256x128xf32, #tpu.memory_space<vmem>> -> memref<128x128xf32, #tpu.memory_space<vmem>>
    %dma_start3A_33 = arith.constant 128 : i32
    %dma_start3A_34 = tpu.memref_slice %arg9[%dma_start3A_33] : memref<256xi32, #tpu.memory_space<vmem>> -> memref<128xi32, #tpu.memory_space<vmem>>
    %dma_start3A_35 = arith.constant 0 : i32
    %dma_start3A_36 = arith.constant 0 : i32
    %dma_start3A_37 = tpu.memref_slice %arg5[%dma_start3A_35, %dma_start3A_36] : memref<100000x128xf32, #tpu.memory_space<hbm>> -> memref<100000x128xf32, #tpu.memory_space<hbm>>
    tpu.enqueue_indirect_dma source(%dma_start3A_37 : memref<100000x128xf32, #tpu.memory_space<hbm>>) target(%dma_start3A_32 : memref<128x128xf32, #tpu.memory_space<vmem>>) offsets(%dma_start3A_34 : memref<128xi32, #tpu.memory_space<vmem>>) semaphore(%arg13 : memref<!tpu.dma_semaphore, #tpu.memory_space<semaphore_mem>>)
    %dma_wait3A = arith.constant 0 : i32
    %dma_wait3A_38 = arith.constant 0 : i32
    %dma_wait3A_39 = tpu.memref_slice %arg10[%dma_wait3A, %dma_wait3A_38] : memref<256x128xf32, #tpu.memory_space<vmem>> -> memref<128x128xf32, #tpu.memory_space<vmem>>
    %dma_wait3A_40 = arith.constant 0 : i32
    %dma_wait3A_41 = tpu.memref_slice %arg8[%dma_wait3A_40] : memref<256xi32, #tpu.memory_space<vmem>> -> memref<128xi32, #tpu.memory_space<vmem>>
    %dma_wait3A_42 = arith.constant 0 : i32
    %dma_wait3A_43 = arith.constant 0 : i32
    %dma_wait3A_44 = tpu.memref_slice %arg4[%dma_wait3A_42, %dma_wait3A_43] : memref<100000x128xf32, #tpu.memory_space<hbm>> -> memref<100000x128xf32, #tpu.memory_space<hbm>>
    tpu.wait_indirect_dma semaphore(%arg12 : memref<!tpu.dma_semaphore, #tpu.memory_space<semaphore_mem>>) src(%dma_wait3A_44 : memref<100000x128xf32, #tpu.memory_space<hbm>>) dst(%dma_wait3A_39 : memref<128x128xf32, #tpu.memory_space<vmem>>)
    %dma_wait3A_45 = arith.constant 128 : i32
    %dma_wait3A_46 = arith.constant 0 : i32
    %dma_wait3A_47 = tpu.memref_slice %arg10[%dma_wait3A_45, %dma_wait3A_46] : memref<256x128xf32, #tpu.memory_space<vmem>> -> memref<128x128xf32, #tpu.memory_space<vmem>>
    %dma_wait3A_48 = arith.constant 128 : i32
    %dma_wait3A_49 = tpu.memref_slice %arg8[%dma_wait3A_48] : memref<256xi32, #tpu.memory_space<vmem>> -> memref<128xi32, #tpu.memory_space<vmem>>
    %dma_wait3A_50 = arith.constant 0 : i32
    %dma_wait3A_51 = arith.constant 0 : i32
    %dma_wait3A_52 = tpu.memref_slice %arg4[%dma_wait3A_50, %dma_wait3A_51] : memref<100000x128xf32, #tpu.memory_space<hbm>> -> memref<100000x128xf32, #tpu.memory_space<hbm>>
    tpu.wait_indirect_dma semaphore(%arg12 : memref<!tpu.dma_semaphore, #tpu.memory_space<semaphore_mem>>) src(%dma_wait3A_52 : memref<100000x128xf32, #tpu.memory_space<hbm>>) dst(%dma_wait3A_47 : memref<128x128xf32, #tpu.memory_space<vmem>>)
    "tpu.region"() ({
      %run_scoped3A = tpu.sem_alloc : memref<!tpu.dma_semaphore, #tpu.memory_space<semaphore_mem>>
      %dma_start3A_69 = arith.constant 0 : i32
      %dma_start3A_70 = tpu.memref_slice %arg6[%mul3A_2, %dma_start3A_69] : memref<8192x128xf32, #tpu.memory_space<hbm>> -> memref<256x128xf32, #tpu.memory_space<hbm>>
      %dma_start3A_71 = arith.constant 0 : i32
      %dma_start3A_72 = tpu.memref_slice %arg6[%mul3A_2, %dma_start3A_71] : memref<8192x128xf32, #tpu.memory_space<hbm>> -> memref<256x128xf32, #tpu.memory_space<hbm>>
      tpu.enqueue_dma source(%arg10 : memref<256x128xf32, #tpu.memory_space<vmem>>) target(%dma_start3A_72 : memref<256x128xf32, #tpu.memory_space<hbm>>) target_semaphore(%run_scoped3A : memref<!tpu.dma_semaphore, #tpu.memory_space<semaphore_mem>>)
      %dma_wait3A_73 = arith.constant 0 : i32
      %dma_wait3A_74 = tpu.memref_slice %arg6[%mul3A_2, %dma_wait3A_73] : memref<8192x128xf32, #tpu.memory_space<hbm>> -> memref<256x128xf32, #tpu.memory_space<hbm>>
      %dma_wait3A_75 = arith.constant 0 : i32
      %dma_wait3A_76 = tpu.memref_slice %arg6[%mul3A_2, %dma_wait3A_75] : memref<8192x128xf32, #tpu.memory_space<hbm>> -> memref<256x128xf32, #tpu.memory_space<hbm>>
      tpu.wait_dma2 semaphore(%run_scoped3A : memref<!tpu.dma_semaphore, #tpu.memory_space<semaphore_mem>>) src(%arg10 : memref<256x128xf32, #tpu.memory_space<vmem>>) dst(%dma_wait3A_76 : memref<256x128xf32, #tpu.memory_space<hbm>>)
      tpu.yield
    }) : () -> ()
    %dma_wait3A_53 = arith.constant 0 : i32
    %dma_wait3A_54 = arith.constant 0 : i32
    %dma_wait3A_55 = tpu.memref_slice %arg11[%dma_wait3A_53, %dma_wait3A_54] : memref<256x128xf32, #tpu.memory_space<vmem>> -> memref<128x128xf32, #tpu.memory_space<vmem>>
    %dma_wait3A_56 = arith.constant 0 : i32
    %dma_wait3A_57 = tpu.memref_slice %arg9[%dma_wait3A_56] : memref<256xi32, #tpu.memory_space<vmem>> -> memref<128xi32, #tpu.memory_space<vmem>>
    %dma_wait3A_58 = arith.constant 0 : i32
    %dma_wait3A_59 = arith.constant 0 : i32
    %dma_wait3A_60 = tpu.memref_slice %arg5[%dma_wait3A_58, %dma_wait3A_59] : memref<100000x128xf32, #tpu.memory_space<hbm>> -> memref<100000x128xf32, #tpu.memory_space<hbm>>
    tpu.wait_indirect_dma semaphore(%arg13 : memref<!tpu.dma_semaphore, #tpu.memory_space<semaphore_mem>>) src(%dma_wait3A_60 : memref<100000x128xf32, #tpu.memory_space<hbm>>) dst(%dma_wait3A_55 : memref<128x128xf32, #tpu.memory_space<vmem>>)
    %dma_wait3A_61 = arith.constant 128 : i32
    %dma_wait3A_62 = arith.constant 0 : i32
    %dma_wait3A_63 = tpu.memref_slice %arg11[%dma_wait3A_61, %dma_wait3A_62] : memref<256x128xf32, #tpu.memory_space<vmem>> -> memref<128x128xf32, #tpu.memory_space<vmem>>
    %dma_wait3A_64 = arith.constant 128 : i32
    %dma_wait3A_65 = tpu.memref_slice %arg9[%dma_wait3A_64] : memref<256xi32, #tpu.memory_space<vmem>> -> memref<128xi32, #tpu.memory_space<vmem>>
    %dma_wait3A_66 = arith.constant 0 : i32
    %dma_wait3A_67 = arith.constant 0 : i32
    %dma_wait3A_68 = tpu.memref_slice %arg5[%dma_wait3A_66, %dma_wait3A_67] : memref<100000x128xf32, #tpu.memory_space<hbm>> -> memref<100000x128xf32, #tpu.memory_space<hbm>>
    tpu.wait_indirect_dma semaphore(%arg13 : memref<!tpu.dma_semaphore, #tpu.memory_space<semaphore_mem>>) src(%dma_wait3A_68 : memref<100000x128xf32, #tpu.memory_space<hbm>>) dst(%dma_wait3A_63 : memref<128x128xf32, #tpu.memory_space<vmem>>)
    "tpu.region"() ({
      %run_scoped3A = tpu.sem_alloc : memref<!tpu.dma_semaphore, #tpu.memory_space<semaphore_mem>>
      %dma_start3A_69 = arith.constant 0 : i32
      %dma_start3A_70 = tpu.memref_slice %arg7[%mul3A_2, %dma_start3A_69] : memref<8192x128xf32, #tpu.memory_space<hbm>> -> memref<256x128xf32, #tpu.memory_space<hbm>>
      %dma_start3A_71 = arith.constant 0 : i32
      %dma_start3A_72 = tpu.memref_slice %arg7[%mul3A_2, %dma_start3A_71] : memref<8192x128xf32, #tpu.memory_space<hbm>> -> memref<256x128xf32, #tpu.memory_space<hbm>>
      tpu.enqueue_dma source(%arg11 : memref<256x128xf32, #tpu.memory_space<vmem>>) target(%dma_start3A_72 : memref<256x128xf32, #tpu.memory_space<hbm>>) target_semaphore(%run_scoped3A : memref<!tpu.dma_semaphore, #tpu.memory_space<semaphore_mem>>)
      %dma_wait3A_73 = arith.constant 0 : i32
      %dma_wait3A_74 = tpu.memref_slice %arg7[%mul3A_2, %dma_wait3A_73] : memref<8192x128xf32, #tpu.memory_space<hbm>> -> memref<256x128xf32, #tpu.memory_space<hbm>>
      %dma_wait3A_75 = arith.constant 0 : i32
      %dma_wait3A_76 = tpu.memref_slice %arg7[%mul3A_2, %dma_wait3A_75] : memref<8192x128xf32, #tpu.memory_space<hbm>> -> memref<256x128xf32, #tpu.memory_space<hbm>>
      tpu.wait_dma2 semaphore(%run_scoped3A : memref<!tpu.dma_semaphore, #tpu.memory_space<semaphore_mem>>) src(%arg11 : memref<256x128xf32, #tpu.memory_space<vmem>>) dst(%dma_wait3A_76 : memref<256x128xf32, #tpu.memory_space<hbm>>)
      tpu.yield
    }) : () -> ()
    return
  }
}

#map = affine_map<(d0, d1) -> (0)>
#map1 = affine_map<(d0, d1) -> (0, 0)>
module attributes {stable_mosaic.version = 14 : i64} {
  func.func @_sc_gather(%arg0: i32, %arg1: i32, %arg2: memref<16384xi32, #tpu.memory_space<hbm>>, %arg3: memref<16384xi32, #tpu.memory_space<hbm>>, %arg4: memref<100000x128xf32, #tpu.memory_space<hbm>>, %arg5: memref<100000x128xf32, #tpu.memory_space<hbm>>, %arg6: memref<8192x128xf32, #tpu.memory_space<hbm>>, %arg7: memref<8192x128xf32, #tpu.memory_space<hbm>>, %arg8: memref<256xi32, #tpu.memory_space<vmem>>, %arg9: memref<256xi32, #tpu.memory_space<vmem>>, %arg10: memref<256x128xf32, #tpu.memory_space<vmem>>, %arg11: memref<256x128xf32, #tpu.memory_space<vmem>>, %arg12: memref<!tpu.dma_semaphore, #tpu.memory_space<semaphore_mem>>, %arg13: memref<!tpu.dma_semaphore, #tpu.memory_space<semaphore_mem>>) attributes {dimension_semantics = [#tpu.dimension_semantics<core_parallel>, #tpu.dimension_semantics<subcore_parallel>], iteration_bounds = array<i64: 2, 16>, scalar_prefetch = 0 : i64, scratch_operands = 6 : i64, tpu.core_type = #tpu.core_type<sc_vector_subcore>, window_params = [{transform_indices = #map}, {transform_indices = #map}, {transform_indices = #map1}, {transform_indices = #map1}, {transform_indices = #map1}, {transform_indices = #map1}]} {
    %mul3A = arith.constant 2 : i32
    %mul3A_0 = arith.muli %arg1, %mul3A : i32
    %add3A = arith.addi %mul3A_0, %arg0 : i32
    %mul3A_1 = arith.constant 256 : i32
    %mul3A_2 = arith.muli %add3A, %mul3A_1 : i32
    %mul3A_3 = arith.constant 256 : i32
    %mul3A_4 = arith.muli %add3A, %mul3A_3 : i32
    %add3A_5 = arith.constant 0 : i32
    %add3A_6 = arith.addi %add3A_5, %mul3A_4 : i32
    "tpu.region"() ({
      %run_scoped3A = tpu.sem_alloc : memref<!tpu.dma_semaphore, #tpu.memory_space<semaphore_mem>>
      %dma_start3A_69 = tpu.memref_slice %arg2[%add3A_6] : memref<16384xi32, #tpu.memory_space<hbm>> -> memref<256xi32, #tpu.memory_space<hbm>>
      %dma_start3A_70 = tpu.memref_slice %arg2[%add3A_6] : memref<16384xi32, #tpu.memory_space<hbm>> -> memref<256xi32, #tpu.memory_space<hbm>>
      tpu.enqueue_dma source(%dma_start3A_70 : memref<256xi32, #tpu.memory_space<hbm>>) target(%arg8 : memref<256xi32, #tpu.memory_space<vmem>>) target_semaphore(%run_scoped3A : memref<!tpu.dma_semaphore, #tpu.memory_space<semaphore_mem>>)
      %dma_wait3A_71 = tpu.memref_slice %arg2[%add3A_6] : memref<16384xi32, #tpu.memory_space<hbm>> -> memref<256xi32, #tpu.memory_space<hbm>>
      %dma_wait3A_72 = tpu.memref_slice %arg2[%add3A_6] : memref<16384xi32, #tpu.memory_space<hbm>> -> memref<256xi32, #tpu.memory_space<hbm>>
      tpu.wait_dma2 semaphore(%run_scoped3A : memref<!tpu.dma_semaphore, #tpu.memory_space<semaphore_mem>>) src(%dma_wait3A_72 : memref<256xi32, #tpu.memory_space<hbm>>) dst(%arg8 : memref<256xi32, #tpu.memory_space<vmem>>)
      tpu.yield
    }) : () -> ()
    "tpu.region"() ({
      %run_scoped3A = tpu.sem_alloc : memref<!tpu.dma_semaphore, #tpu.memory_space<semaphore_mem>>
      %dma_start3A_69 = tpu.memref_slice %arg3[%add3A_6] : memref<16384xi32, #tpu.memory_space<hbm>> -> memref<256xi32, #tpu.memory_space<hbm>>
      %dma_start3A_70 = tpu.memref_slice %arg3[%add3A_6] : memref<16384xi32, #tpu.memory_space<hbm>> -> memref<256xi32, #tpu.memory_space<hbm>>
      tpu.enqueue_dma source(%dma_start3A_70 : memref<256xi32, #tpu.memory_space<hbm>>) target(%arg9 : memref<256xi32, #tpu.memory_space<vmem>>) target_semaphore(%run_scoped3A : memref<!tpu.dma_semaphore, #tpu.memory_space<semaphore_mem>>)
      %dma_wait3A_71 = tpu.memref_slice %arg3[%add3A_6] : memref<16384xi32, #tpu.memory_space<hbm>> -> memref<256xi32, #tpu.memory_space<hbm>>
      %dma_wait3A_72 = tpu.memref_slice %arg3[%add3A_6] : memref<16384xi32, #tpu.memory_space<hbm>> -> memref<256xi32, #tpu.memory_space<hbm>>
      tpu.wait_dma2 semaphore(%run_scoped3A : memref<!tpu.dma_semaphore, #tpu.memory_space<semaphore_mem>>) src(%dma_wait3A_72 : memref<256xi32, #tpu.memory_space<hbm>>) dst(%arg9 : memref<256xi32, #tpu.memory_space<vmem>>)
      tpu.yield
    }) : () -> ()
    %dma_start3A = arith.constant 0 : i32
    %dma_start3A_7 = arith.constant 0 : i32
    %dma_start3A_8 = tpu.memref_slice %arg10[%dma_start3A, %dma_start3A_7] : memref<256x128xf32, #tpu.memory_space<vmem>> -> memref<128x128xf32, #tpu.memory_space<vmem>>
    %dma_start3A_9 = arith.constant 0 : i32
    %dma_start3A_10 = tpu.memref_slice %arg8[%dma_start3A_9] : memref<256xi32, #tpu.memory_space<vmem>> -> memref<128xi32, #tpu.memory_space<vmem>>
    %dma_start3A_11 = arith.constant 0 : i32
    %dma_start3A_12 = arith.constant 0 : i32
    %dma_start3A_13 = tpu.memref_slice %arg4[%dma_start3A_11, %dma_start3A_12] : memref<100000x128xf32, #tpu.memory_space<hbm>> -> memref<100000x128xf32, #tpu.memory_space<hbm>>
    tpu.enqueue_indirect_dma source(%dma_start3A_13 : memref<100000x128xf32, #tpu.memory_space<hbm>>) target(%dma_start3A_8 : memref<128x128xf32, #tpu.memory_space<vmem>>) offsets(%dma_start3A_10 : memref<128xi32, #tpu.memory_space<vmem>>) semaphore(%arg12 : memref<!tpu.dma_semaphore, #tpu.memory_space<semaphore_mem>>)
    %dma_start3A_14 = arith.constant 128 : i32
    %dma_start3A_15 = arith.constant 0 : i32
    %dma_start3A_16 = tpu.memref_slice %arg10[%dma_start3A_14, %dma_start3A_15] : memref<256x128xf32, #tpu.memory_space<vmem>> -> memref<128x128xf32, #tpu.memory_space<vmem>>
    %dma_start3A_17 = arith.constant 128 : i32
    %dma_start3A_18 = tpu.memref_slice %arg8[%dma_start3A_17] : memref<256xi32, #tpu.memory_space<vmem>> -> memref<128xi32, #tpu.memory_space<vmem>>
    %dma_start3A_19 = arith.constant 0 : i32
    %dma_start3A_20 = arith.constant 0 : i32
    %dma_start3A_21 = tpu.memref_slice %arg4[%dma_start3A_19, %dma_start3A_20] : memref<100000x128xf32, #tpu.memory_space<hbm>> -> memref<100000x128xf32, #tpu.memory_space<hbm>>
    tpu.enqueue_indirect_dma source(%dma_start3A_21 : memref<100000x128xf32, #tpu.memory_space<hbm>>) target(%dma_start3A_16 : memref<128x128xf32, #tpu.memory_space<vmem>>) offsets(%dma_start3A_18 : memref<128xi32, #tpu.memory_space<vmem>>) semaphore(%arg12 : memref<!tpu.dma_semaphore, #tpu.memory_space<semaphore_mem>>)
    %dma_start3A_22 = arith.constant 0 : i32
    %dma_start3A_23 = arith.constant 0 : i32
    %dma_start3A_24 = tpu.memref_slice %arg11[%dma_start3A_22, %dma_start3A_23] : memref<256x128xf32, #tpu.memory_space<vmem>> -> memref<128x128xf32, #tpu.memory_space<vmem>>
    %dma_start3A_25 = arith.constant 0 : i32
    %dma_start3A_26 = tpu.memref_slice %arg9[%dma_start3A_25] : memref<256xi32, #tpu.memory_space<vmem>> -> memref<128xi32, #tpu.memory_space<vmem>>
    %dma_start3A_27 = arith.constant 0 : i32
    %dma_start3A_28 = arith.constant 0 : i32
    %dma_start3A_29 = tpu.memref_slice %arg5[%dma_start3A_27, %dma_start3A_28] : memref<100000x128xf32, #tpu.memory_space<hbm>> -> memref<100000x128xf32, #tpu.memory_space<hbm>>
    tpu.enqueue_indirect_dma source(%dma_start3A_29 : memref<100000x128xf32, #tpu.memory_space<hbm>>) target(%dma_start3A_24 : memref<128x128xf32, #tpu.memory_space<vmem>>) offsets(%dma_start3A_26 : memref<128xi32, #tpu.memory_space<vmem>>) semaphore(%arg13 : memref<!tpu.dma_semaphore, #tpu.memory_space<semaphore_mem>>)
    %dma_start3A_30 = arith.constant 128 : i32
    %dma_start3A_31 = arith.constant 0 : i32
    %dma_start3A_32 = tpu.memref_slice %arg11[%dma_start3A_30, %dma_start3A_31] : memref<256x128xf32, #tpu.memory_space<vmem>> -> memref<128x128xf32, #tpu.memory_space<vmem>>
    %dma_start3A_33 = arith.constant 128 : i32
    %dma_start3A_34 = tpu.memref_slice %arg9[%dma_start3A_33] : memref<256xi32, #tpu.memory_space<vmem>> -> memref<128xi32, #tpu.memory_space<vmem>>
    %dma_start3A_35 = arith.constant 0 : i32
    %dma_start3A_36 = arith.constant 0 : i32
    %dma_start3A_37 = tpu.memref_slice %arg5[%dma_start3A_35, %dma_start3A_36] : memref<100000x128xf32, #tpu.memory_space<hbm>> -> memref<100000x128xf32, #tpu.memory_space<hbm>>
    tpu.enqueue_indirect_dma source(%dma_start3A_37 : memref<100000x128xf32, #tpu.memory_space<hbm>>) target(%dma_start3A_32 : memref<128x128xf32, #tpu.memory_space<vmem>>) offsets(%dma_start3A_34 : memref<128xi32, #tpu.memory_space<vmem>>) semaphore(%arg13 : memref<!tpu.dma_semaphore, #tpu.memory_space<semaphore_mem>>)
    %dma_wait3A = arith.constant 0 : i32
    %dma_wait3A_38 = arith.constant 0 : i32
    %dma_wait3A_39 = tpu.memref_slice %arg10[%dma_wait3A, %dma_wait3A_38] : memref<256x128xf32, #tpu.memory_space<vmem>> -> memref<128x128xf32, #tpu.memory_space<vmem>>
    %dma_wait3A_40 = arith.constant 0 : i32
    %dma_wait3A_41 = tpu.memref_slice %arg8[%dma_wait3A_40] : memref<256xi32, #tpu.memory_space<vmem>> -> memref<128xi32, #tpu.memory_space<vmem>>
    %dma_wait3A_42 = arith.constant 0 : i32
    %dma_wait3A_43 = arith.constant 0 : i32
    %dma_wait3A_44 = tpu.memref_slice %arg4[%dma_wait3A_42, %dma_wait3A_43] : memref<100000x128xf32, #tpu.memory_space<hbm>> -> memref<100000x128xf32, #tpu.memory_space<hbm>>
    tpu.wait_indirect_dma semaphore(%arg12 : memref<!tpu.dma_semaphore, #tpu.memory_space<semaphore_mem>>) src(%dma_wait3A_44 : memref<100000x128xf32, #tpu.memory_space<hbm>>) dst(%dma_wait3A_39 : memref<128x128xf32, #tpu.memory_space<vmem>>)
    %dma_wait3A_45 = arith.constant 128 : i32
    %dma_wait3A_46 = arith.constant 0 : i32
    %dma_wait3A_47 = tpu.memref_slice %arg10[%dma_wait3A_45, %dma_wait3A_46] : memref<256x128xf32, #tpu.memory_space<vmem>> -> memref<128x128xf32, #tpu.memory_space<vmem>>
    %dma_wait3A_48 = arith.constant 128 : i32
    %dma_wait3A_49 = tpu.memref_slice %arg8[%dma_wait3A_48] : memref<256xi32, #tpu.memory_space<vmem>> -> memref<128xi32, #tpu.memory_space<vmem>>
    %dma_wait3A_50 = arith.constant 0 : i32
    %dma_wait3A_51 = arith.constant 0 : i32
    %dma_wait3A_52 = tpu.memref_slice %arg4[%dma_wait3A_50, %dma_wait3A_51] : memref<100000x128xf32, #tpu.memory_space<hbm>> -> memref<100000x128xf32, #tpu.memory_space<hbm>>
    tpu.wait_indirect_dma semaphore(%arg12 : memref<!tpu.dma_semaphore, #tpu.memory_space<semaphore_mem>>) src(%dma_wait3A_52 : memref<100000x128xf32, #tpu.memory_space<hbm>>) dst(%dma_wait3A_47 : memref<128x128xf32, #tpu.memory_space<vmem>>)
    "tpu.region"() ({
      %run_scoped3A = tpu.sem_alloc : memref<!tpu.dma_semaphore, #tpu.memory_space<semaphore_mem>>
      %dma_start3A_69 = arith.constant 0 : i32
      %dma_start3A_70 = tpu.memref_slice %arg6[%mul3A_2, %dma_start3A_69] : memref<8192x128xf32, #tpu.memory_space<hbm>> -> memref<256x128xf32, #tpu.memory_space<hbm>>
      %dma_start3A_71 = arith.constant 0 : i32
      %dma_start3A_72 = tpu.memref_slice %arg6[%mul3A_2, %dma_start3A_71] : memref<8192x128xf32, #tpu.memory_space<hbm>> -> memref<256x128xf32, #tpu.memory_space<hbm>>
      tpu.enqueue_dma source(%arg10 : memref<256x128xf32, #tpu.memory_space<vmem>>) target(%dma_start3A_72 : memref<256x128xf32, #tpu.memory_space<hbm>>) target_semaphore(%run_scoped3A : memref<!tpu.dma_semaphore, #tpu.memory_space<semaphore_mem>>)
      %dma_wait3A_73 = arith.constant 0 : i32
      %dma_wait3A_74 = tpu.memref_slice %arg6[%mul3A_2, %dma_wait3A_73] : memref<8192x128xf32, #tpu.memory_space<hbm>> -> memref<256x128xf32, #tpu.memory_space<hbm>>
      %dma_wait3A_75 = arith.constant 0 : i32
      %dma_wait3A_76 = tpu.memref_slice %arg6[%mul3A_2, %dma_wait3A_75] : memref<8192x128xf32, #tpu.memory_space<hbm>> -> memref<256x128xf32, #tpu.memory_space<hbm>>
      tpu.wait_dma2 semaphore(%run_scoped3A : memref<!tpu.dma_semaphore, #tpu.memory_space<semaphore_mem>>) src(%arg10 : memref<256x128xf32, #tpu.memory_space<vmem>>) dst(%dma_wait3A_76 : memref<256x128xf32, #tpu.memory_space<hbm>>)
      tpu.yield
    }) : () -> ()
    %dma_wait3A_53 = arith.constant 0 : i32
    %dma_wait3A_54 = arith.constant 0 : i32
    %dma_wait3A_55 = tpu.memref_slice %arg11[%dma_wait3A_53, %dma_wait3A_54] : memref<256x128xf32, #tpu.memory_space<vmem>> -> memref<128x128xf32, #tpu.memory_space<vmem>>
    %dma_wait3A_56 = arith.constant 0 : i32
    %dma_wait3A_57 = tpu.memref_slice %arg9[%dma_wait3A_56] : memref<256xi32, #tpu.memory_space<vmem>> -> memref<128xi32, #tpu.memory_space<vmem>>
    %dma_wait3A_58 = arith.constant 0 : i32
    %dma_wait3A_59 = arith.constant 0 : i32
    %dma_wait3A_60 = tpu.memref_slice %arg5[%dma_wait3A_58, %dma_wait3A_59] : memref<100000x128xf32, #tpu.memory_space<hbm>> -> memref<100000x128xf32, #tpu.memory_space<hbm>>
    tpu.wait_indirect_dma semaphore(%arg13 : memref<!tpu.dma_semaphore, #tpu.memory_space<semaphore_mem>>) src(%dma_wait3A_60 : memref<100000x128xf32, #tpu.memory_space<hbm>>) dst(%dma_wait3A_55 : memref<128x128xf32, #tpu.memory_space<vmem>>)
    %dma_wait3A_61 = arith.constant 128 : i32
    %dma_wait3A_62 = arith.constant 0 : i32
    %dma_wait3A_63 = tpu.memref_slice %arg11[%dma_wait3A_61, %dma_wait3A_62] : memref<256x128xf32, #tpu.memory_space<vmem>> -> memref<128x128xf32, #tpu.memory_space<vmem>>
    %dma_wait3A_64 = arith.constant 128 : i32
    %dma_wait3A_65 = tpu.memref_slice %arg9[%dma_wait3A_64] : memref<256xi32, #tpu.memory_space<vmem>> -> memref<128xi32, #tpu.memory_space<vmem>>
    %dma_wait3A_66 = arith.constant 0 : i32
    %dma_wait3A_67 = arith.constant 0 : i32
    %dma_wait3A_68 = tpu.memref_slice %arg5[%dma_wait3A_66, %dma_wait3A_67] : memref<100000x128xf32, #tpu.memory_space<hbm>> -> memref<100000x128xf32, #tpu.memory_space<hbm>>
    tpu.wait_indirect_dma semaphore(%arg13 : memref<!tpu.dma_semaphore, #tpu.memory_space<semaphore_mem>>) src(%dma_wait3A_68 : memref<100000x128xf32, #tpu.memory_space<hbm>>) dst(%dma_wait3A_63 : memref<128x128xf32, #tpu.memory_space<vmem>>)
    "tpu.region"() ({
      %run_scoped3A = tpu.sem_alloc : memref<!tpu.dma_semaphore, #tpu.memory_space<semaphore_mem>>
      %dma_start3A_69 = arith.constant 0 : i32
      %dma_start3A_70 = tpu.memref_slice %arg7[%mul3A_2, %dma_start3A_69] : memref<8192x128xf32, #tpu.memory_space<hbm>> -> memref<256x128xf32, #tpu.memory_space<hbm>>
      %dma_start3A_71 = arith.constant 0 : i32
      %dma_start3A_72 = tpu.memref_slice %arg7[%mul3A_2, %dma_start3A_71] : memref<8192x128xf32, #tpu.memory_space<hbm>> -> memref<256x128xf32, #tpu.memory_space<hbm>>
      tpu.enqueue_dma source(%arg11 : memref<256x128xf32, #tpu.memory_space<vmem>>) target(%dma_start3A_72 : memref<256x128xf32, #tpu.memory_space<hbm>>) target_semaphore(%run_scoped3A : memref<!tpu.dma_semaphore, #tpu.memory_space<semaphore_mem>>)
      %dma_wait3A_73 = arith.constant 0 : i32
      %dma_wait3A_74 = tpu.memref_slice %arg7[%mul3A_2, %dma_wait3A_73] : memref<8192x128xf32, #tpu.memory_space<hbm>> -> memref<256x128xf32, #tpu.memory_space<hbm>>
      %dma_wait3A_75 = arith.constant 0 : i32
      %dma_wait3A_76 = tpu.memref_slice %arg7[%mul3A_2, %dma_wait3A_75] : memref<8192x128xf32, #tpu.memory_space<hbm>> -> memref<256x128xf32, #tpu.memory_space<hbm>>
      tpu.wait_dma2 semaphore(%run_scoped3A : memref<!tpu.dma_semaphore, #tpu.memory_space<semaphore_mem>>) src(%arg11 : memref<256x128xf32, #tpu.memory_space<vmem>>) dst(%dma_wait3A_76 : memref<256x128xf32, #tpu.memory_space<hbm>>)
      tpu.yield
    }) : () -> ()
    return
  }
}

module attributes {stable_mosaic.version = 14 : i64} {
  func.func @_mlp_body(%arg0: i32, %arg1: memref<2048x128xf32, #tpu.memory_space<vmem>>, %arg2: memref<2048x128xf32, #tpu.memory_space<vmem>>, %arg3: memref<256x512xbf16, #tpu.memory_space<vmem>>, %arg4: memref<1x512xf32, #tpu.memory_space<vmem>>, %arg5: memref<512x1024xbf16, #tpu.memory_space<vmem>>, %arg6: memref<1x1024xf32, #tpu.memory_space<vmem>>, %arg7: memref<1x1024xbf16, #tpu.memory_space<vmem>>, %arg8: memref<1x1xf32, #tpu.memory_space<vmem>>, %arg9: memref<1x2048xf32, #tpu.memory_space<vmem>>) attributes {dimension_semantics = [#tpu.dimension_semantics<parallel>], iteration_bounds = array<i64: 4>, scalar_prefetch = 0 : i64, scratch_operands = 0 : i64, tpu.core_type = #tpu.core_type<tc>, window_params = [{transform_indices = @transform_0, window_bounds = array<i64: 2048, 128>}, {transform_indices = @transform_1, window_bounds = array<i64: 2048, 128>}, {pipeline_mode = #tpu.pipeline_mode<synchronous>, transform_indices = @transform_2, window_bounds = array<i64: 256, 512>}, {pipeline_mode = #tpu.pipeline_mode<synchronous>, transform_indices = @transform_3, window_bounds = array<i64: 1, 512>}, {pipeline_mode = #tpu.pipeline_mode<synchronous>, transform_indices = @transform_4, window_bounds = array<i64: 512, 1024>}, {pipeline_mode = #tpu.pipeline_mode<synchronous>, transform_indices = @transform_5, window_bounds = array<i64: 1, 1024>}, {pipeline_mode = #tpu.pipeline_mode<synchronous>, transform_indices = @transform_6, window_bounds = array<i64: 1, 1024>}, {pipeline_mode = #tpu.pipeline_mode<synchronous>, transform_indices = @transform_7, window_bounds = array<i64: 1, 1>}, {transform_indices = @transform_8, window_bounds = array<i64: 1, 2048>}]} {
    %get3A = arith.constant 0 : index
    %get3A_0 = arith.constant 0 : index
    %get3A_1 = vector.load %arg1[%get3A, %get3A_0] : memref<2048x128xf32, #tpu.memory_space<vmem>>, vector<2048x128xf32>
    %get3A_2 = arith.constant 0 : index
    %get3A_3 = arith.constant 0 : index
    %get3A_4 = vector.load %arg2[%get3A_2, %get3A_3] : memref<2048x128xf32, #tpu.memory_space<vmem>>, vector<2048x128xf32>
    %concatenate3A = tpu.concatenate %get3A_1, %get3A_4 in 1 : vector<2048x128xf32>, vector<2048x128xf32> -> vector<2048x256xf32>
    %convert_element_type3A = arith.truncf %concatenate3A : vector<2048x256xf32> to vector<2048x256xbf16>
    %get3A_5 = arith.constant 0 : index
    %get3A_6 = arith.constant 0 : index
    %get3A_7 = vector.load %arg3[%get3A_5, %get3A_6] : memref<256x512xbf16, #tpu.memory_space<vmem>>, vector<256x512xbf16>
    %dot_general3A = arith.constant dense<0.000000e+00> : vector<2048x512xf32>
    %dot_general3A_8 = tpu.matmul %convert_element_type3A, %get3A_7, %dot_general3A {dimension_numbers = #tpu.dot_dimension_numbers<[1], [0], [0], [1], [0, 0, 1, 1], [], []>, transpose_lhs_hint = false} : vector<2048x256xbf16>, vector<256x512xbf16>, vector<2048x512xf32> -> vector<2048x512xf32>
    %get3A_9 = arith.constant 0 : index
    %get3A_10 = arith.constant 0 : index
    %get3A_11 = vector.load %arg4[%get3A_9, %get3A_10] : memref<1x512xf32, #tpu.memory_space<vmem>>, vector<1x512xf32>
    %add3A = vector.broadcast %get3A_11 : vector<1x512xf32> to vector<2048x512xf32>
    %add3A_12 = arith.addf %dot_general3A_8, %add3A : vector<2048x512xf32>
    %max3A = arith.constant 0.000000e+00 : f32
    %max3A_13 = vector.broadcast %max3A : f32 to vector<2048x512xf32>
    %max3A_14 = arith.maximumf %add3A_12, %max3A_13 : vector<2048x512xf32>
    %convert_element_type3A_15 = arith.truncf %max3A_14 : vector<2048x512xf32> to vector<2048x512xbf16>
    %get3A_16 = arith.constant 0 : index
    %get3A_17 = arith.constant 0 : index
    %get3A_18 = vector.load %arg5[%get3A_16, %get3A_17] : memref<512x1024xbf16, #tpu.memory_space<vmem>>, vector<512x1024xbf16>
    %dot_general3A_19 = arith.constant dense<0.000000e+00> : vector<2048x1024xf32>
    %dot_general3A_20 = tpu.matmul %convert_element_type3A_15, %get3A_18, %dot_general3A_19 {dimension_numbers = #tpu.dot_dimension_numbers<[1], [0], [0], [1], [0, 0, 1, 1], [], []>, transpose_lhs_hint = false} : vector<2048x512xbf16>, vector<512x1024xbf16>, vector<2048x1024xf32> -> vector<2048x1024xf32>
    %get3A_21 = arith.constant 0 : index
    %get3A_22 = arith.constant 0 : index
    %get3A_23 = vector.load %arg6[%get3A_21, %get3A_22] : memref<1x1024xf32, #tpu.memory_space<vmem>>, vector<1x1024xf32>
    %add3A_24 = vector.broadcast %get3A_23 : vector<1x1024xf32> to vector<2048x1024xf32>
    %add3A_25 = arith.addf %dot_general3A_20, %add3A_24 : vector<2048x1024xf32>
    %max3A_26 = arith.constant 0.000000e+00 : f32
    %max3A_27 = vector.broadcast %max3A_26 : f32 to vector<2048x1024xf32>
    %max3A_28 = arith.maximumf %add3A_25, %max3A_27 : vector<2048x1024xf32>
    %convert_element_type3A_29 = arith.truncf %max3A_28 : vector<2048x1024xf32> to vector<2048x1024xbf16>
    %get3A_30 = arith.constant 0 : index
    %get3A_31 = arith.constant 0 : index
    %get3A_32 = vector.load %arg7[%get3A_30, %get3A_31] : memref<1x1024xbf16, #tpu.memory_space<vmem>>, vector<1x1024xbf16>
    %dot_general3A_33 = arith.constant dense<0.000000e+00> : vector<1x2048xf32>
    %dot_general3A_34 = tpu.matmul %get3A_32, %convert_element_type3A_29, %dot_general3A_33 {dimension_numbers = #tpu.dot_dimension_numbers<[1], [1], [0], [0], [0, 0, 1, 0], [], []>, transpose_lhs_hint = false} : vector<1x1024xbf16>, vector<2048x1024xbf16>, vector<1x2048xf32> -> vector<1x2048xf32>
    %get3A_35 = arith.constant 0 : index
    %get3A_36 = arith.constant 0 : index
    %get3A_37 = vector.load %arg8[%get3A_35, %get3A_36] : memref<1x1xf32, #tpu.memory_space<vmem>>, vector<1x1xf32>
    %add3A_38 = vector.broadcast %get3A_37 : vector<1x1xf32> to vector<1x2048xf32>
    %add3A_39 = arith.addf %dot_general3A_34, %add3A_38 : vector<1x2048xf32>
    %swap3A = arith.constant 0 : index
    %swap3A_40 = arith.constant 0 : index
    %swap3A_41 = vector.load %arg9[%swap3A, %swap3A_40] : memref<1x2048xf32, #tpu.memory_space<vmem>>, vector<1x2048xf32>
    tpu.vector_store %arg9[%swap3A, %swap3A_40], %add3A_39 {strides = array<i32>} : memref<1x2048xf32, #tpu.memory_space<vmem>>, vector<1x2048xf32>,
    return
  }
  func.func @transform_0(%arg0: i32) -> (i32, i32) {
    %c0_i32 = arith.constant 0 : i32
    %c0_i32_0 = arith.constant 0 : i32
    return %arg0, %c0_i32 : i32, i32
  }
  func.func @transform_1(%arg0: i32) -> (i32, i32) {
    %c0_i32 = arith.constant 0 : i32
    %c0_i32_0 = arith.constant 0 : i32
    return %arg0, %c0_i32 : i32, i32
  }
  func.func @transform_2(%arg0: i32) -> (i32, i32) {
    %c0_i32 = arith.constant 0 : i32
    %c0_i32_0 = arith.constant 0 : i32
    %c0_i32_1 = arith.constant 0 : i32
    return %c0_i32, %c0_i32_0 : i32, i32
  }
  func.func @transform_3(%arg0: i32) -> (i32, i32) {
    %c0_i32 = arith.constant 0 : i32
    %c0_i32_0 = arith.constant 0 : i32
    %c0_i32_1 = arith.constant 0 : i32
    return %c0_i32, %c0_i32_0 : i32, i32
  }
  func.func @transform_4(%arg0: i32) -> (i32, i32) {
    %c0_i32 = arith.constant 0 : i32
    %c0_i32_0 = arith.constant 0 : i32
    %c0_i32_1 = arith.constant 0 : i32
    return %c0_i32, %c0_i32_0 : i32, i32
  }
  func.func @transform_5(%arg0: i32) -> (i32, i32) {
    %c0_i32 = arith.constant 0 : i32
    %c0_i32_0 = arith.constant 0 : i32
    %c0_i32_1 = arith.constant 0 : i32
    return %c0_i32, %c0_i32_0 : i32, i32
  }
  func.func @transform_6(%arg0: i32) -> (i32, i32) {
    %c0_i32 = arith.constant 0 : i32
    %c0_i32_0 = arith.constant 0 : i32
    %c0_i32_1 = arith.constant 0 : i32
    return %c0_i32, %c0_i32_0 : i32, i32
  }
  func.func @transform_7(%arg0: i32) -> (i32, i32) {
    %c0_i32 = arith.constant 0 : i32
    %c0_i32_0 = arith.constant 0 : i32
    %c0_i32_1 = arith.constant 0 : i32
    return %c0_i32, %c0_i32_0 : i32, i32
  }
  func.func @transform_8(%arg0: i32) -> (i32, i32) {
    %c0_i32 = arith.constant 0 : i32
    %c0_i32_0 = arith.constant 0 : i32
    return %c0_i32, %arg0 : i32, i32
  }
}

</mosaic_0001>

<sc_bundles>
// kernel: kernel.6.cloned.1.call-start
scs
__scs_entry_jumppad:
0x0: {  	(pc) =	sbr.rel $0x88, $3  }
0x1: {  	(tag) =	ssettag $0x0;
	lr =	simm.s32 $0x1  }
0x2: {  	[smem:$0x3F97] =	sst lr;
	_ =	strace $0xD0000000  }
0x3: {  	_ = 	snop  }
0x4: {  	_ = 	snop  }
0x5: {  	_ = 	snop  }
0x6: {  	_ = 	snop  }
0x7: {  	_ = 	snop  }
__scs_overlays_trampoline_lowered:
0x8: {  	[smem:$0x3FA6] =	sst s0  }
0x9: {  	[smem:$0x3FA7] =	sst s1  }
0xa: {  	[smem:$0x3FA8] =	sst s2  }
0xb: {  	[smem:$0x3FA9] =	sst s3  }
0xc: {  	[smem:$0x3FAA] =	sst s4  }
0xd: {  	[smem:$0x3FAB] =	sst s5  }
0xe: {  	[smem:$0x3FAC] =	sst s6  }
0xf: {  	[smem:$0x3FAD] =	sst s7  }
0x10: {  	[smem:$0x3FAE] =	sst s8  }
0x11: {  	[smem:$0x3FAF] =	sst s9;
	s0 =	simm.s32 @!p0 $0x0  }
0x12: {  	s1 =	sld [smem:$0x3F95];
	s0 =	simm.s32 @p0 $0x1  }
0x13: {  	[smem:$0x3FB0] =	sst s0;
	s0 =	simm.s32 @!p1 $0x0  }
0x14: {  	s2 =	sld [smem:$0x3F94];
	s0 =	simm.s32 @p1 $0x1  }
0x15: {  	[smem:$0x3FB1] =	sst s0;
	s0 =	simm.s32 @!p2 $0x0  }
0x16: {  	s3 =	sld [smem:$0x3FDB];
	s0 =	simm.s32 @p2 $0x1  }
0x17: {  	s4 =	simm.s32 $0x1BF5;
	[smem:$0x3FB3] =	sst s0  }
0x18: {  	s0 =	sld [smem:$0x3F96];
	_ =	swait.ge [sflag:s4], $0x0  }
0x19: {  	s7 =	sld [smem:$0x3F97]  }
0x1a: {  	s8 =	sadd.s32 $0xFFFFE003, lr  }
0x1b: {  	s9 =	sadd.s32 $0xFFFFFEF7, lr;
	s5 =	simm.s32 $0xFFFFFFFF;
	p2 =	slt.u32 s8, $0xFFFFF086  }
0x1c: {  	p1 =	slt.u32 s9, $0xF7A;
	s5 =	simm.s32 @!p2 $0x0  }
0x1d: {  	s5 =	simm.s32 @p1 $0x1;
	p0 =	seq.s32 s7, s2  }
0x1e: {  	s7 =	smul.u32 @!p0 $0xF7A, s2;
	p2 =	seq.s32 @!p0 s5, $0x0  }
0x1f: {  	s9 =	smul.u32 $0xF7A, s1;
	s8 =	simm.s32 @!p0 $0x1BF5;
	p2 =	por !p2, p0  }
0x20: {  	[sflag:s8] =	ssyncset.s32 @!p0 $0xFFFFF086;
	s6 =	sadd.s32 @!p0 s3, s7;
	s7 =	simm.s32 @!p0 $0x108  }
0x21: {  	s3 =	sadd.s32 s3, s9;
	s6 =	sadd.s32 @!p0 $0x88, s6;
	s7 =	simm.s32 @p2 $0x1082  }
0x22: {  	[simem:s7], [sflag:s8] =	dma.local @!p0 [hbm:s6], $0xF7A  }
0x23: {  	s9 =	sor.u32 $0xD0000000, s2;
	s6 =	simm.s32 $0x108;
	_ =	swait.ge @!p0 [sflag:s8], $0x0  }
0x24: {  	s3 =	sadd.s32 $0x88, s3;
	s6 =	simm.s32 @!p1 $0x1082;
	[sflag:s4] =	ssyncset.s32 $0xFFFFF086  }
0x25: {  	[simem:s6], [sflag:s4] =	dma.local [hbm:s3], $0xF7A  }
0x26: {  	[smem:$0x3F97] =	sst s1;
	(tag) =	ssettag s2;
	_ =	strace s9  }
0x27: {  	s1 =	sld [smem:$0x3FA7]  }
0x28: {  	s2 =	sld [smem:$0x3FA8]  }
0x29: {  	s4 =	sld [smem:$0x3FAA]  }
0x2a: {  	p0 =	seq.s32 s5, $0x0;
	s5 =	sld [smem:$0x3FAB]  }
0x2b: {  	s6 =	sld [smem:$0x3FAC]  }
0x2c: {  	s7 =	sld [smem:$0x3FAD]  }
0x2d: {  	s3 =	simm.s32 $0x108;
	s8 =	sld [smem:$0x3FAE]  }
0x2e: {  	s3 =	simm.s32 @!p0 $0x1082;
	s9 =	sld [smem:$0x3FAF]  }
0x2f: {  	lr =	sadd.s32 s0, s3;
	s0 =	sld [smem:$0x3FA6]  }
0x30: {  	s3 =	sld [smem:$0x3FA9]  }
0x31: {  	[smem:$0x3FB2] =	sst s10  }
0x32: {  	s10 =	sld [smem:$0x3FB0];
	_ =	sdelay $0x3  }
0x33: {  	p0 =	seq.s32 s10, $0x1;
	s10 =	sld [smem:$0x3FB2];
	_ =	sdelay $0x3  }
0x34: {  	[smem:$0x3FB2] =	sst s10  }
0x35: {  	s10 =	sld [smem:$0x3FB1];
	_ =	sdelay $0x3  }
0x36: {  	p1 =	seq.s32 s10, $0x1;
	s10 =	sld [smem:$0x3FB2];
	_ =	sdelay $0x3  }
0x37: {  	[smem:$0x3FB2] =	sst s10  }
0x38: {  	s10 =	sld [smem:$0x3FB3]  }
0x39: {  	_ = 	snop;
	(pc) =	sbr.ind lr, $3  }
0x3a: {  	_ = 	snop  }
0x3b: {  	_ = 	snop  }
0x3c: {  	p2 =	seq.s32 s10, $0x1;
	s10 =	sld [smem:$0x3FB2]  }
0x3d: {  	_ =	shalt  }
0x3e: {  	_ =	shalt  }
0x3f: {  	_ =	shalt  }
0x40: {  	_ =	shalt  }
0x41: {  	_ =	shalt  }
0x42: {  	_ =	shalt  }
0x43: {  	_ =	shalt  }
0x44: {  	_ =	shalt  }
0x45: {  	_ =	shalt  }
0x46: {  	_ =	shalt  }
0x47: {  	_ =	shalt  }
0x48: {  	_ =	shalt  }
0x49: {  	_ =	shalt  }
0x4a: {  	_ =	shalt  }
0x4b: {  	_ =	shalt  }
0x4c: {  	_ =	shalt  }
0x4d: {  	_ =	shalt  }
0x4e: {  	_ =	shalt  }
0x4f: {  	_ =	shalt  }
0x50: {  	_ =	shalt  }
0x51: {  	_ =	shalt  }
0x52: {  	_ =	shalt  }
0x53: {  	_ =	shalt  }
0x54: {  	_ =	shalt  }
0x55: {  	_ =	shalt  }
0x56: {  	_ =	shalt  }
0x57: {  	_ =	shalt  }
0x58: {  	_ =	shalt  }
0x59: {  	_ =	shalt  }
0x5a: {  	_ =	shalt  }
0x5b: {  	_ =	shalt  }
0x5c: {  	_ =	shalt  }
0x5d: {  	_ =	shalt  }
0x5e: {  	_ =	shalt  }
0x5f: {  	_ =	shalt  }
0x60: {  	_ =	shalt  }
0x61: {  	_ =	shalt  }
0x62: {  	_ =	shalt  }
0x63: {  	_ =	shalt  }
0x64: {  	_ =	shalt  }
0x65: {  	_ =	shalt  }
0x66: {  	_ =	shalt  }
0x67: {  	_ =	shalt  }
0x68: {  	_ =	shalt  }
0x69: {  	_ =	shalt  }
0x6a: {  	_ =	shalt  }
0x6b: {  	_ =	shalt  }
0x6c: {  	_ =	shalt  }
0x6d: {  	_ =	shalt  }
0x6e: {  	_ =	shalt  }
0x6f: {  	_ =	shalt  }
0x70: {  	_ =	shalt  }
0x71: {  	_ =	shalt  }
0x72: {  	_ =	shalt  }
0x73: {  	_ =	shalt  }
0x74: {  	_ =	shalt  }
0x75: {  	_ =	shalt  }
0x76: {  	_ =	shalt  }
0x77: {  	_ =	shalt  }
0x78: {  	_ =	shalt  }
0x79: {  	_ =	shalt  }
0x7a: {  	_ =	shalt  }
0x7b: {  	_ =	shalt  }
0x7c: {  	_ =	shalt  }
0x7d: {  	_ =	shalt  }
0x7e: {  	_ =	shalt  }
0x7f: {  	_ =	shalt  }
0x80: {  	_ =	shalt  }
0x81: {  	_ =	shalt  }
0x82: {  	_ =	shalt  }
0x83: {  	_ =	shalt  }
0x84: {  	_ =	shalt  }
0x85: {  	_ =	shalt  }
0x86: {  	_ =	shalt  }
0x87: {  	_ =	shalt  }
.Lfunc_end0:
.L_simem_size_0:
called_computation_lowered:
.L_overlay_start_0:
0x88: {  	s2 =	sld [smem:$0x3FD9]  }
0x89: {  	s3 =	sld [smem:$0x3FFE];
	_ =	sdelay $0x1  }
0x8a: {  	s1 =	srdreg.scid  }
0x8b: {  	s0 =	sand.u32 $0x1, s1  }
0x8c: {  	s17 =	sshll.u32 s0, $0xA;
	s2 =	sadd.s32 s3, s2  }
0x8d: {  	s2 =	sadd.s32 s2, s17  }
0x8e: {  	[smem:$0x3FBE] =	sst s2  }
0x8f: {  	_ = 	snop  }
0x90: {  	s18 =	sld [smem:$0x3FC9]  }
0x91: {  	s4 =	sld [smem:$0x3FC8]  }
0x92: {  	s5 =	sld [smem:$0x3FC7]  }
0x93: {  	s6 =	sld [smem:$0x3FC6];
	(tm) =	ssettm $0x1  }
0x94: {  	s19 =	sld [smem:$0x3FFB];
	_ =	sdelay $0x3  }
0x95: {  	_ =	strace s19  }
0x96: {  	s2 =	sld [smem:$0x3FFC];
	_ =	sdelay $0x3  }
0x97: {  	_ =	strace s2  }
0x98: {  	s2 =	sld [smem:$0x3FFD];
	_ =	sdelay $0x3  }
0x99: {  	_ =	strace s2  }
0x9a: {  	_ =	strace $0x8FFFFFFF  }
0x9b: {  	s20 =	sld [smem:$0x3FDB];
	_ =	sdelay $0x1  }
0x9c: {  	s7 =	simm.s32 $_scs_section_size  }
0x9d: {  	s8 =	simm.s32 $_size__tile_overlayer_lowered;
	s9 =	simm.s32 $_tile_overlayer_lowered  }
0x9e: {  	s10 =	simm.s32 $0x1BFF;
	s21 =	sshll.u32 s9, $0x1;
	s7 =	sadd.s32 s7, s20  }
0x9f: {  	s22 =	simm.s32 $0x0;
	s8 =	sshll.u32 s8, $0x1;
	s9 =	sadd.s32 s21, s7  }
0xa0: {  	[timem:s22], [sflag:s10] =	dma.local [hbm:s9], s8  }
0xa1: {  	_ =	swait.ge [sflag:s10], s8  }
0xa2: {  	s8 =	ssub.s32 $0x0, s8;
	[sflag:s10] =	ssyncset.done $0x0  }
0xa3: {  	[sflag:s10] =	ssyncadd.s32 s8;
	_ =	sdelay $0x1  }
0xa4: {  	s23 =	simm.s32 $0x1B8B  }
0xa5: {  	_ =	swait.ge [sflag:s23], $0x1  }
0xa6: {  	[sflag:s23] =	ssyncset.done $0x0  }
0xa7: {  	[sflag:s23] =	ssyncadd.s32 $0xFFFFFFFF  }
0xa8: {  	s8 =	sld [smem:$0x0]  }
0xa9: {  	s9 =	sand.u32 $0xFFFFFFFE, s1  }
0xaa: {  	p0 =	sne.s32 s1, s9  }
0xab: {  	s9 =	sshll.u32 @p0 s9, $0xE  }
0xac: {  	s9 =	sadd.s32 @p0 $0x11B8D, s9;
	s10 =	sshll.u32 @p0 s8, $0x11  }
0xad: {  	s9 =	sor.u32 @p0 s10, s9  }
0xae: {  	[sflag:s9] =	ssyncadd.remote.s32 @p0 $0x1;
	_ =	sdelay $0x1  }
0xaf: {  	s9 =	simm.s32 @p0 $0x1B8D  }
0xb0: {  	_ =	swait.eq @p0 [sflag:s9], $0x1  }
0xb1: {  	[sflag:s9] =	ssyncadd.s32 @p0 $0xFFFFFFFF  }
0xb2: {  	s10 =	sshll.u32 @!p0 s1, $0xE  }
0xb3: {  	s10 =	sor.u32 @!p0 $0x4000, s10;
	s9 =	simm.s32 @!p0 $0x1B8D  }
0xb4: {  	s8 =	sshll.u32 @!p0 s8, $0x11;
	s10 =	sadd.s32 @!p0 $0x11B8D, s10;
	_ =	swait.eq @!p0 [sflag:s9], $0x1  }
0xb5: {  	s8 =	sor.u32 @!p0 s8, s10;
	[sflag:s9] =	ssyncadd.s32 @!p0 $0xFFFFFFFF  }
0xb6: {  	s25 =	simm.s32 $0x1B8E;
	s24 =	sld [smem:$0x3FFE];
	[sflag:s8] =	ssyncadd.remote.s32 @!p0 $0x1  }
0xb7: {  	s26 =	simm.s32 $execute0_lowered;
	[smem:$0x3FD2] =	sst s25  }
0xb8: {  	s9 =	sshll.u32 s26, $0x1;
	_ =	strace $0x80000049;
	[dreg:$0x1] =	wrdreg $0xFFFFFFFF  }
0xb9: {  	s28 =	simm.s32 $_size_execute0_lowered;
	s7 =	sadd.s32 s7, s9;
	[dreg:$0x0] =	wrdreg $0x0  }
0xba: {  	s9 =	sshll.u32 s28, $0x1;
	[dreg:$0x2] =	wrdreg s7  }
0xbb: {  	[dreg:$0x3] =	wrdreg s9  }
0xbc: {  	[dreg:$0x4] =	wrdreg $0xC0  }
0xbd: {  	_ =	task [dreg:s22], $0x5FFFF  }
0xbe: {  	[dreg:$0x1] =	wrdreg $0xFFFFFFFF  }
0xbf: {  	[dreg:$0x0] =	wrdreg $0x60  }
0xc0: {  	[dreg:$0x2] =	wrdreg s18  }
0xc1: {  	[dreg:$0x3] =	wrdreg s4  }
0xc2: {  	[dreg:$0x4] =	wrdreg s5  }
0xc3: {  	[dreg:$0x5] =	wrdreg s6  }
0xc4: {  	[dreg:$0x6] =	wrdreg s24  }
0xc5: {  	[dreg:$0x7] =	wrdreg $0x9  }
0xc6: {  	_ =	task.clear_ibuf [dreg:s22], $0x8FFFF;
	_ =	strace $0x90000049  }
0xc7: {  	s29 =	simm.s32 $0x9;
	_ =	strace $0x8000004B  }
0xc8: {  	_ =	swait.ge [sflag:s29], $0x1  }
0xc9: {  	[sflag:s29] =	ssyncadd.s32 $0xFFFFFFFF  }
0xca: {  	_ =	strace $0x9000004B  }
0xcb: {  	_ =	sfence  }
0xcc: {  	s30 =	sld [smem:$0x0];
	_ =	sdelay $0x2  }
0xcd: {  	s31 =	sshll.u32 s1, $0xD;
	s1 =	sshrl.u32 s1, $0x2  }
0xce: {  	s4 =	sand.u32 $0x4000, s31;
	s1 =	sadd.s32 s1, s30  }
0xcf: {  	s0 =	sor.u32 s4, s0;
	s1 =	sshll.u32 s1, $0x11  }
0xd0: {  	s0 =	sor.u32 s1, s0  }
0xd1: {  	s0 =	sadd.s32 $0x8F2B, s0  }
0xd2: {  	[sflag:s0] =	ssyncadd.remote.s32 $0x1  }
0xd3: {  	_ =	sfence.sel $0xFFFF  }
0xd4: {  	[dreg:$0x0] =	wrdreg $0xFFFFFFFF;
	(pc) =	sbr.abs _section_cstart, $3  }
0xd5: {  	[dreg:$0x1] =	wrdreg $0xFFFFFFFF  }
0xd6: {  	_ =	task.clear_ibuf [dreg:s22], $0x2FFFF;
	_ =	strace $0x9FFFFFFF  }
0xd7: {  	(tm) =	ssettm $0x7FFFFFFF  }
tec
execute0_lowered:
.L_overlay_start_1:
0x0: {  	(tag) =	ssettag $0x1  }
0x1: {  	s5 =	rddreg [dreg:$0x0]  }
0x2: {  	s7 =	rddreg [dreg:$0x1]  }
0x3: {  	s1 =	rddreg [dreg:$0x2];
	s2 =	srdreg.scid  }
0x4: {  	s3 =	rddreg [dreg:$0x3];
	s0 =	stileid.u32;
	s18 =	sand.u32 $0x1, s2  }
0x5: {  	s16 =	rddreg [dreg:$0x4];
	s6 =	sshll.u32 s0, $0x9;
	s8 =	sshll.u32 s18, $0x8  }
0x6: {  	s4 =	simm.s32 $0x0;
	s2 =	rddreg [dreg:$0x5];
	s17 =	sor.u32 s8, s6  }
0x7: {  	[smem:$0x7FF] =	sst s4;
	s8 =	sshrl.u32 s17, $0x3  }
0x8: {  	_ =	strace $0x8000004A;
	s6 =	sadd.s32 s5, s8;
	s5 =	simm.s32 $0x3  }
0x9: {  	[tilespmem:s4], [sflag:$0x3] =	stream.linear.gather [hbm4b:s6+s4], $0x100, $0x38;
	[tilespmem:$0x10200] =	vst v63  }
0xa: {  	_ =	swait.ge [sflag:s5], $0x100  }
0xb: {  	[sflag:s5] =	ssyncset.done $0x0  }
0xc: {  	s7 =	sadd.s32 s7, s8;
	s8 =	simm.s32 $0x100;
	[sflag:s5] =	ssyncadd.s32 $0xFFFFFF00  }
0xd: {  	[tilespmem:s8], [sflag:$0x3] =	stream.linear.gather [hbm4b:s7+s4], $0x100, $0x38;
	[tilespmem:$0x10200] =	vst v63  }
0xe: {  	_ =	swait.ge [sflag:s5], $0x100  }
0xf: {  	[sflag:s5] =	ssyncset.done $0x0  }
0x10: {  	s9 =	simm.s32 $0x80;
	s10 =	simm.s32 $0x200;
	[sflag:s5] =	ssyncadd.s32 $0xFFFFFF00  }
0x11: {  	[tilespmem:s10], [sflag:$0x1] =	stream.indirect.gather [hbm4b:s1+s9], $0x80, s4, s9, $0xb8;
	[tilespmem:$0x10200] =	vst v63  }
0x12: {  	s11 =	simm.s32 $0x4200  }
0x13: {  	[tilespmem:s11], [sflag:$0x1] =	stream.indirect.gather [hbm4b:s1+s9], $0x80, s9, s9, $0xb8;
	[tilespmem:$0x10200] =	vst v63  }
0x14: {  	s12 =	simm.s32 $0x8200  }
0x15: {  	[tilespmem:s12], [sflag:$0x2] =	stream.indirect.gather [hbm4b:s3+s9], $0x80, s8, s9, $0xb8;
	[tilespmem:$0x10200] =	vst v63  }
0x16: {  	s13 =	simm.s32 $0x180;
	s14 =	simm.s32 $0xC200;
	s15 =	simm.s32 $0x1  }
0x17: {  	[tilespmem:s14], [sflag:$0x2] =	stream.indirect.gather [hbm4b:s3+s9], $0x80, s13, s9, $0xb8;
	[tilespmem:$0x10200] =	vst v63  }
0x18: {  	_ =	swait.ge [sflag:s15], $0x4000  }
0x19: {  	[sflag:s15] =	ssyncset.done $0x0  }
0x1a: {  	[sflag:s15] =	ssyncadd.s32 $0xFFFFC000  }
0x1b: {  	s17 =	sshll.u32 s17, $0x4;
	_ =	swait.ge [sflag:s15], $0x4000  }
0x1c: {  	s19 =	sadd.s32 s17, s16;
	[sflag:s15] =	ssyncset.done $0x0  }
0x1d: {  	s16 =	sadd.s32 $0x42200, s19;
	[sflag:s15] =	ssyncadd.s32 $0xFFFFC000  }
0x1e: {  	[hbm4b:s16+s4] =	stream.linear.scatter [tilespmem:s10], [sflag:$0x3], $0x8000, $0x38;
	[tilespmem:$0x10200] =	vst v63  }
0x1f: {  	_ =	swait.ge [sflag:s5], $0x8000  }
0x20: {  	[sflag:s5] =	ssyncset.done $0x0  }
0x21: {  	s18 =	ssub.s32 $0x2, s18;
	s17 =	simm.s32 $0x2;
	[sflag:s5] =	ssyncadd.s32 $0xFFFF8000  }
0x22: {  	s20 =	sshrl.u32 s18, $0x1;
	_ =	swait.ge [sflag:s17], $0x4000  }
0x23: {  	s20 =	ssub.s32 s18, s20;
	[sflag:s17] =	ssyncset.done $0x0  }
0x24: {  	s31 =	smax.u32 s20, $0x1;
	[sflag:s17] =	ssyncadd.s32 $0xFFFFC000  }
0x25: {  	p0 =	sne.s32 s31, $0x1;
	_ =	swait.ge [sflag:s17], $0x4000  }
.Ltmp0:
0x26: {  	[sflag:s17] =	ssyncset.done $0x0;
	(pc) =	sbr.rel @!p0 .LBB2_2-.Ltmp0, $4  }
0x27: {  	s18 =	sadd.s32 $0x62200, s19;
	[sflag:s17] =	ssyncadd.s32 $0xFFFFC000  }
0x28: {  	[hbm4b:s18+s4] =	stream.linear.scatter [tilespmem:s12], [sflag:$0x3], $0x8000, $0x38;
	[tilespmem:$0x10200] =	vst v63  }
0x29: {  	_ =	swait.ge [sflag:s5], $0x8000  }
0x2a: {  	s19 =	sadd.s32 $0xFFFFFFFF, s31;
	[sflag:s5] =	ssyncset.done $0x0  }
.LBB2_1:
0x2b: {  	p0 =	sne.s32 s19, $0x1;
	s19 =	sadd.s32 $0xFFFFFFFF, s19;
	[sflag:s5] =	ssyncadd.s32 $0xFFFF8000  }
0x2c: {  	[tilespmem:s4], [sflag:$0x3] =	stream.linear.gather [hbm4b:s6+s4], $0x100, $0x38;
	[tilespmem:$0x10200] =	vst v63  }
0x2d: {  	_ =	swait.ge [sflag:s5], $0x100  }
0x2e: {  	[sflag:s5] =	ssyncset.done $0x0  }
0x2f: {  	[sflag:s5] =	ssyncadd.s32 $0xFFFFFF00  }
0x30: {  	[tilespmem:s8], [sflag:$0x3] =	stream.linear.gather [hbm4b:s7+s4], $0x100, $0x38;
	[tilespmem:$0x10200] =	vst v63  }
0x31: {  	_ =	swait.ge [sflag:s5], $0x100  }
0x32: {  	[sflag:s5] =	ssyncset.done $0x0  }
0x33: {  	[sflag:s5] =	ssyncadd.s32 $0xFFFFFF00  }
0x34: {  	[tilespmem:s10], [sflag:$0x1] =	stream.indirect.gather [hbm4b:s1+s9], $0x80, s4, s9, $0xb8;
	[tilespmem:$0x10200] =	vst v63  }
0x35: {  	_ = 	snop  }
0x36: {  	[tilespmem:s11], [sflag:$0x1] =	stream.indirect.gather [hbm4b:s1+s9], $0x80, s9, s9, $0xb8;
	[tilespmem:$0x10200] =	vst v63  }
0x37: {  	_ = 	snop  }
0x38: {  	[tilespmem:s12], [sflag:$0x2] =	stream.indirect.gather [hbm4b:s3+s9], $0x80, s8, s9, $0xb8;
	[tilespmem:$0x10200] =	vst v63  }
0x39: {  	_ = 	snop  }
0x3a: {  	[tilespmem:s14], [sflag:$0x2] =	stream.indirect.gather [hbm4b:s3+s9], $0x80, s13, s9, $0xb8;
	[tilespmem:$0x10200] =	vst v63  }
0x3b: {  	_ =	swait.ge [sflag:s15], $0x4000  }
0x3c: {  	[sflag:s15] =	ssyncset.done $0x0  }
0x3d: {  	[sflag:s15] =	ssyncadd.s32 $0xFFFFC000  }
0x3e: {  	_ =	swait.ge [sflag:s15], $0x4000  }
0x3f: {  	[sflag:s15] =	ssyncset.done $0x0  }
0x40: {  	[sflag:s15] =	ssyncadd.s32 $0xFFFFC000  }
0x41: {  	[hbm4b:s16+s4] =	stream.linear.scatter [tilespmem:s10], [sflag:$0x3], $0x8000, $0x38;
	[tilespmem:$0x10200] =	vst v63  }
0x42: {  	_ =	swait.ge [sflag:s5], $0x8000  }
0x43: {  	[sflag:s5] =	ssyncset.done $0x0  }
0x44: {  	[sflag:s5] =	ssyncadd.s32 $0xFFFF8000  }
0x45: {  	_ =	swait.ge [sflag:s17], $0x4000  }
0x46: {  	[sflag:s17] =	ssyncset.done $0x0  }
0x47: {  	[sflag:s17] =	ssyncadd.s32 $0xFFFFC000  }
0x48: {  	_ =	swait.ge [sflag:s17], $0x4000  }
.Ltmp1:
0x49: {  	[sflag:s17] =	ssyncset.done $0x0;
	(pc) =	sbr.rel @p0 .LBB2_1-.Ltmp1, $4  }
0x4a: {  	[sflag:s17] =	ssyncadd.s32 $0xFFFFC000  }
0x4b: {  	[hbm4b:s18+s4] =	stream.linear.scatter [tilespmem:s12], [sflag:$0x3], $0x8000, $0x38;
	[tilespmem:$0x10200] =	vst v63  }
0x4c: {  	_ =	swait.ge [sflag:s5], $0x8000  }
0x4d: {  	[sflag:s5] =	ssyncset.done $0x0  }
.LBB2_2:
0x4e: {  	[sflag:s5] =	ssyncadd.s32 $0xFFFF8000  }
0x4f: {  	_ =	sfence.sel $0x180000  }
0x50: {  	[bflag:$0x0] =	sbarrier.arrive $0xFFFF  }
0x51: {  	p0 =	sne.s32 s0, $0x0;
	_ =	strace $0x9000004A  }
0x52: {  	s0 =	sadd.s32 @!p0 $0x100000, s2;
	[bflag:$0x2] =	sbarrier.arrive $0xFFFF  }
0x53: {  	[sflag:s0] =	ssyncadd.tile.s32 @!p0 $0x1;
	_ =	shalt  }
.Lfunc_end2:
_tile_overlayer_lowered:
.L_overlay_start_2:
0x54: {  	(tag) =	ssettag $0x2  }
0x55: {  	s0 =	rddreg [dreg:$0x0];
	s2 =	stileid.u32  }
0x56: {  	s1 =	rddreg [dreg:$0x1];
	p0 =	sne.s32 s2, $0x0  }
0x57: {  	s3 =	rddreg [dreg:$0x2];
	[bflag:$0x3] =	sbarrier.arrive $0xFFFF;
	s2 =	simm.s32 @!p0 $0x1C03  }
0x58: {  	[timem:s3], [sflag:s2] =	dma.local @!p0 [hbm:s0], s1  }
0x59: {  	s0 =	simm.s32 @!p0 $0x3  }
0x5a: {  	_ =	swait.ge @!p0 [sflag:s0], s1  }
0x5b: {  	s1 =	ssub.s32 @!p0 $0x0, s1;
	[sflag:s0] =	ssyncset.done @!p0 $0x0  }
0x5c: {  	[sflag:s0] =	ssyncadd.s32 @!p0 s1  }
0x5d: {  	[bflag:$0x3] =	sbarrier.arrive $0xFFFF  }
0x5e: {  	_ =	shalt  }

// kernel: kernel.9.cloned.1.call-start
scs
__scs_entry_jumppad:
0x0: {  	(pc) =	sbr.rel $0x88, $3  }
0x1: {  	(tag) =	ssettag $0x0;
	lr =	simm.s32 $0x1  }
0x2: {  	[smem:$0x3F97] =	sst lr;
	_ =	strace $0xD0000000  }
0x3: {  	_ = 	snop  }
0x4: {  	_ = 	snop  }
0x5: {  	_ = 	snop  }
0x6: {  	_ = 	snop  }
0x7: {  	_ = 	snop  }
__scs_overlays_trampoline_lowered:
0x8: {  	[smem:$0x3FA6] =	sst s0  }
0x9: {  	[smem:$0x3FA7] =	sst s1  }
0xa: {  	[smem:$0x3FA8] =	sst s2  }
0xb: {  	[smem:$0x3FA9] =	sst s3  }
0xc: {  	[smem:$0x3FAA] =	sst s4  }
0xd: {  	[smem:$0x3FAB] =	sst s5  }
0xe: {  	[smem:$0x3FAC] =	sst s6  }
0xf: {  	[smem:$0x3FAD] =	sst s7  }
0x10: {  	[smem:$0x3FAE] =	sst s8  }
0x11: {  	[smem:$0x3FAF] =	sst s9;
	s0 =	simm.s32 @!p0 $0x0  }
0x12: {  	s1 =	sld [smem:$0x3F95];
	s0 =	simm.s32 @p0 $0x1  }
0x13: {  	[smem:$0x3FB0] =	sst s0;
	s0 =	simm.s32 @!p1 $0x0  }
0x14: {  	s2 =	sld [smem:$0x3F94];
	s0 =	simm.s32 @p1 $0x1  }
0x15: {  	[smem:$0x3FB1] =	sst s0;
	s0 =	simm.s32 @!p2 $0x0  }
0x16: {  	s3 =	sld [smem:$0x3FDB];
	s0 =	simm.s32 @p2 $0x1  }
0x17: {  	s4 =	simm.s32 $0x1BF5;
	[smem:$0x3FB3] =	sst s0  }
0x18: {  	s0 =	sld [smem:$0x3F96];
	_ =	swait.ge [sflag:s4], $0x0  }
0x19: {  	s7 =	sld [smem:$0x3F97]  }
0x1a: {  	s8 =	sadd.s32 $0xFFFFE003, lr  }
0x1b: {  	s9 =	sadd.s32 $0xFFFFFEF7, lr;
	s5 =	simm.s32 $0xFFFFFFFF;
	p2 =	slt.u32 s8, $0xFFFFF086  }
0x1c: {  	p1 =	slt.u32 s9, $0xF7A;
	s5 =	simm.s32 @!p2 $0x0  }
0x1d: {  	s5 =	simm.s32 @p1 $0x1;
	p0 =	seq.s32 s7, s2  }
0x1e: {  	s7 =	smul.u32 @!p0 $0xF7A, s2;
	p2 =	seq.s32 @!p0 s5, $0x0  }
0x1f: {  	s9 =	smul.u32 $0xF7A, s1;
	s8 =	simm.s32 @!p0 $0x1BF5;
	p2 =	por !p2, p0  }
0x20: {  	[sflag:s8] =	ssyncset.s32 @!p0 $0xFFFFF086;
	s6 =	sadd.s32 @!p0 s3, s7;
	s7 =	simm.s32 @!p0 $0x108  }
0x21: {  	s3 =	sadd.s32 s3, s9;
	s6 =	sadd.s32 @!p0 $0x88, s6;
	s7 =	simm.s32 @p2 $0x1082  }
0x22: {  	[simem:s7], [sflag:s8] =	dma.local @!p0 [hbm:s6], $0xF7A  }
0x23: {  	s9 =	sor.u32 $0xD0000000, s2;
	s6 =	simm.s32 $0x108;
	_ =	swait.ge @!p0 [sflag:s8], $0x0  }
0x24: {  	s3 =	sadd.s32 $0x88, s3;
	s6 =	simm.s32 @!p1 $0x1082;
	[sflag:s4] =	ssyncset.s32 $0xFFFFF086  }
0x25: {  	[simem:s6], [sflag:s4] =	dma.local [hbm:s3], $0xF7A  }
0x26: {  	[smem:$0x3F97] =	sst s1;
	(tag) =	ssettag s2;
	_ =	strace s9  }
0x27: {  	s1 =	sld [smem:$0x3FA7]  }
0x28: {  	s2 =	sld [smem:$0x3FA8]  }
0x29: {  	s4 =	sld [smem:$0x3FAA]  }
0x2a: {  	p0 =	seq.s32 s5, $0x0;
	s5 =	sld [smem:$0x3FAB]  }
0x2b: {  	s6 =	sld [smem:$0x3FAC]  }
0x2c: {  	s7 =	sld [smem:$0x3FAD]  }
0x2d: {  	s3 =	simm.s32 $0x108;
	s8 =	sld [smem:$0x3FAE]  }
0x2e: {  	s3 =	simm.s32 @!p0 $0x1082;
	s9 =	sld [smem:$0x3FAF]  }
0x2f: {  	lr =	sadd.s32 s0, s3;
	s0 =	sld [smem:$0x3FA6]  }
0x30: {  	s3 =	sld [smem:$0x3FA9]  }
0x31: {  	[smem:$0x3FB2] =	sst s10  }
0x32: {  	s10 =	sld [smem:$0x3FB0];
	_ =	sdelay $0x3  }
0x33: {  	p0 =	seq.s32 s10, $0x1;
	s10 =	sld [smem:$0x3FB2];
	_ =	sdelay $0x3  }
0x34: {  	[smem:$0x3FB2] =	sst s10  }
0x35: {  	s10 =	sld [smem:$0x3FB1];
	_ =	sdelay $0x3  }
0x36: {  	p1 =	seq.s32 s10, $0x1;
	s10 =	sld [smem:$0x3FB2];
	_ =	sdelay $0x3  }
0x37: {  	[smem:$0x3FB2] =	sst s10  }
0x38: {  	s10 =	sld [smem:$0x3FB3]  }
0x39: {  	_ = 	snop;
	(pc) =	sbr.ind lr, $3  }
0x3a: {  	_ = 	snop  }
0x3b: {  	_ = 	snop  }
0x3c: {  	p2 =	seq.s32 s10, $0x1;
	s10 =	sld [smem:$0x3FB2]  }
0x3d: {  	_ =	shalt  }
0x3e: {  	_ =	shalt  }
0x3f: {  	_ =	shalt  }
0x40: {  	_ =	shalt  }
0x41: {  	_ =	shalt  }
0x42: {  	_ =	shalt  }
0x43: {  	_ =	shalt  }
0x44: {  	_ =	shalt  }
0x45: {  	_ =	shalt  }
0x46: {  	_ =	shalt  }
0x47: {  	_ =	shalt  }
0x48: {  	_ =	shalt  }
0x49: {  	_ =	shalt  }
0x4a: {  	_ =	shalt  }
0x4b: {  	_ =	shalt  }
0x4c: {  	_ =	shalt  }
0x4d: {  	_ =	shalt  }
0x4e: {  	_ =	shalt  }
0x4f: {  	_ =	shalt  }
0x50: {  	_ =	shalt  }
0x51: {  	_ =	shalt  }
0x52: {  	_ =	shalt  }
0x53: {  	_ =	shalt  }
0x54: {  	_ =	shalt  }
0x55: {  	_ =	shalt  }
0x56: {  	_ =	shalt  }
0x57: {  	_ =	shalt  }
0x58: {  	_ =	shalt  }
0x59: {  	_ =	shalt  }
0x5a: {  	_ =	shalt  }
0x5b: {  	_ =	shalt  }
0x5c: {  	_ =	shalt  }
0x5d: {  	_ =	shalt  }
0x5e: {  	_ =	shalt  }
0x5f: {  	_ =	shalt  }
0x60: {  	_ =	shalt  }
0x61: {  	_ =	shalt  }
0x62: {  	_ =	shalt  }
0x63: {  	_ =	shalt  }
0x64: {  	_ =	shalt  }
0x65: {  	_ =	shalt  }
0x66: {  	_ =	shalt  }
0x67: {  	_ =	shalt  }
0x68: {  	_ =	shalt  }
0x69: {  	_ =	shalt  }
0x6a: {  	_ =	shalt  }
0x6b: {  	_ =	shalt  }
0x6c: {  	_ =	shalt  }
0x6d: {  	_ =	shalt  }
0x6e: {  	_ =	shalt  }
0x6f: {  	_ =	shalt  }
0x70: {  	_ =	shalt  }
0x71: {  	_ =	shalt  }
0x72: {  	_ =	shalt  }
0x73: {  	_ =	shalt  }
0x74: {  	_ =	shalt  }
0x75: {  	_ =	shalt  }
0x76: {  	_ =	shalt  }
0x77: {  	_ =	shalt  }
0x78: {  	_ =	shalt  }
0x79: {  	_ =	shalt  }
0x7a: {  	_ =	shalt  }
0x7b: {  	_ =	shalt  }
0x7c: {  	_ =	shalt  }
0x7d: {  	_ =	shalt  }
0x7e: {  	_ =	shalt  }
0x7f: {  	_ =	shalt  }
0x80: {  	_ =	shalt  }
0x81: {  	_ =	shalt  }
0x82: {  	_ =	shalt  }
0x83: {  	_ =	shalt  }
0x84: {  	_ =	shalt  }
0x85: {  	_ =	shalt  }
0x86: {  	_ =	shalt  }
0x87: {  	_ =	shalt  }
.Lfunc_end0:
.L_simem_size_0:
called_computation.1_lowered:
.L_overlay_start_0:
0x88: {  	s2 =	sld [smem:$0x3FD9]  }
0x89: {  	s3 =	sld [smem:$0x3FFE];
	_ =	sdelay $0x1  }
0x8a: {  	s1 =	srdreg.scid  }
0x8b: {  	s0 =	sand.u32 $0x1, s1  }
0x8c: {  	s17 =	sshll.u32 s0, $0xA;
	s2 =	sadd.s32 s3, s2  }
0x8d: {  	s2 =	sadd.s32 s2, s17  }
0x8e: {  	[smem:$0x3FBE] =	sst s2  }
0x8f: {  	_ = 	snop  }
0x90: {  	s2 =	sld [smem:$0x3FC9]  }
0x91: {  	s18 =	sld [smem:$0x3FC8]  }
0x92: {  	s4 =	sld [smem:$0x3FC7]  }
0x93: {  	s5 =	sld [smem:$0x3FC6];
	(tm) =	ssettm $0x1  }
0x94: {  	s6 =	sld [smem:$0x3FFB];
	_ =	sdelay $0x3  }
0x95: {  	_ =	strace s6  }
0x96: {  	s6 =	sld [smem:$0x3FFC];
	_ =	sdelay $0x3  }
0x97: {  	_ =	strace s6  }
0x98: {  	s6 =	sld [smem:$0x3FFD];
	_ =	sdelay $0x3  }
0x99: {  	_ =	strace s6  }
0x9a: {  	_ =	strace $0x8FFFFFFF  }
0x9b: {  	s19 =	sld [smem:$0x3FDB];
	_ =	sdelay $0x1  }
0x9c: {  	s7 =	simm.s32 $_scs_section_size  }
0x9d: {  	s8 =	simm.s32 $_size__tile_overlayer_lowered;
	s9 =	simm.s32 $_tile_overlayer_lowered  }
0x9e: {  	s22 =	simm.s32 $0x1BFF;
	s21 =	sshll.u32 s9, $0x1;
	s6 =	sadd.s32 s7, s19  }
0x9f: {  	s10 =	simm.s32 $0x0;
	s20 =	sshll.u32 s8, $0x1;
	s8 =	sadd.s32 s21, s6  }
0xa0: {  	[timem:s10], [sflag:s22] =	dma.local [hbm:s8], s20  }
0xa1: {  	_ =	swait.ge [sflag:s22], s20  }
0xa2: {  	s7 =	ssub.s32 $0x0, s20;
	[sflag:s22] =	ssyncset.done $0x0  }
0xa3: {  	[sflag:s22] =	ssyncadd.s32 s7;
	_ =	sdelay $0x1  }
0xa4: {  	s23 =	simm.s32 $0x1B8B  }
0xa5: {  	_ =	swait.ge [sflag:s23], $0x1  }
0xa6: {  	[sflag:s23] =	ssyncset.done $0x0  }
0xa7: {  	s25 =	simm.s32 $0x1B8E;
	s24 =	sld [smem:$0x3FFE];
	[sflag:s23] =	ssyncadd.s32 $0xFFFFFFFF  }
0xa8: {  	s26 =	simm.s32 $execute0_lowered;
	[smem:$0x3FD2] =	sst s25  }
0xa9: {  	s8 =	sshll.u32 s26, $0x1;
	_ =	strace $0x80000046;
	[dreg:$0x1] =	wrdreg $0xFFFFFFFF  }
0xaa: {  	s28 =	simm.s32 $_size_execute0_lowered;
	s6 =	sadd.s32 s6, s8;
	[dreg:$0x0] =	wrdreg $0x0  }
0xab: {  	s8 =	sshll.u32 s28, $0x1;
	[dreg:$0x2] =	wrdreg s6  }
0xac: {  	[dreg:$0x3] =	wrdreg s8  }
0xad: {  	[dreg:$0x4] =	wrdreg $0xC0  }
0xae: {  	_ =	task [dreg:s10], $0x5FFFF  }
0xaf: {  	[dreg:$0x1] =	wrdreg $0xFFFFFFFF  }
0xb0: {  	[dreg:$0x0] =	wrdreg $0x60  }
0xb1: {  	[dreg:$0x2] =	wrdreg s2  }
0xb2: {  	[dreg:$0x3] =	wrdreg s18  }
0xb3: {  	[dreg:$0x4] =	wrdreg s4  }
0xb4: {  	[dreg:$0x5] =	wrdreg s5  }
0xb5: {  	[dreg:$0x6] =	wrdreg s24  }
0xb6: {  	[dreg:$0x7] =	wrdreg $0xA  }
0xb7: {  	_ =	task.clear_ibuf [dreg:s10], $0x8FFFF;
	_ =	strace $0x90000046  }
0xb8: {  	s29 =	simm.s32 $0xA;
	_ =	strace $0x80000048  }
0xb9: {  	_ =	swait.ge [sflag:s29], $0x1  }
0xba: {  	[sflag:s29] =	ssyncadd.s32 $0xFFFFFFFF  }
0xbb: {  	_ =	strace $0x90000048  }
0xbc: {  	_ =	sfence  }
0xbd: {  	s30 =	sld [smem:$0x0];
	_ =	sdelay $0x2  }
0xbe: {  	s31 =	sshll.u32 s1, $0xD;
	s1 =	sshrl.u32 s1, $0x2  }
0xbf: {  	s3 =	sand.u32 $0x4000, s31;
	s1 =	sadd.s32 s1, s30  }
0xc0: {  	s0 =	sor.u32 s3, s0;
	s1 =	sshll.u32 s1, $0x11  }
0xc1: {  	s0 =	sor.u32 s1, s0  }
0xc2: {  	s0 =	sadd.s32 $0x8F2B, s0  }
0xc3: {  	[sflag:s0] =	ssyncadd.remote.s32 $0x1  }
0xc4: {  	_ =	sfence.sel $0xFFFF  }
0xc5: {  	[dreg:$0x0] =	wrdreg $0xFFFFFFFF;
	(pc) =	sbr.abs _section_cstart, $3  }
0xc6: {  	[dreg:$0x1] =	wrdreg $0xFFFFFFFF  }
0xc7: {  	_ =	task.clear_ibuf [dreg:s10], $0x2FFFF;
	_ =	strace $0x9FFFFFFF  }
0xc8: {  	(tm) =	ssettm $0x7FFFFFFF  }
0xc9: {  	_ =	shalt  }
tec
execute0_lowered:
.L_overlay_start_1:
0x0: {  	(tag) =	ssettag $0x1  }
0x1: {  	s5 =	rddreg [dreg:$0x0]  }
0x2: {  	s7 =	rddreg [dreg:$0x1];
	s2 =	srdreg.scid  }
0x3: {  	s1 =	rddreg [dreg:$0x2];
	s0 =	stileid.u32;
	s18 =	sand.u32 $0x1, s2  }
0x4: {  	s3 =	rddreg [dreg:$0x3];
	s30 =	sshll.u32 s0, $0x9;
	s4 =	sshll.u32 s18, $0x8  }
0x5: {  	s16 =	rddreg [dreg:$0x4];
	s17 =	sor.u32 s4, s30  }
0x6: {  	s2 =	rddreg [dreg:$0x5];
	s4 =	simm.s32 $0x0;
	s6 =	sshrl.u32 s17, $0x3  }
0x7: {  	[smem:$0x7FF] =	sst s4;
	s8 =	sor.u32 $0x400, s6  }
0x8: {  	_ =	strace $0x80000047;
	s6 =	sadd.s32 s5, s8;
	s5 =	simm.s32 $0x3  }
0x9: {  	[tilespmem:s4], [sflag:$0x3] =	stream.linear.gather [hbm4b:s6+s4], $0x100, $0x38;
	[tilespmem:$0x10200] =	vst v63  }
0xa: {  	_ =	swait.ge [sflag:s5], $0x100  }
0xb: {  	[sflag:s5] =	ssyncset.done $0x0  }
0xc: {  	s7 =	sadd.s32 s7, s8;
	s8 =	simm.s32 $0x100;
	[sflag:s5] =	ssyncadd.s32 $0xFFFFFF00  }
0xd: {  	[tilespmem:s8], [sflag:$0x3] =	stream.linear.gather [hbm4b:s7+s4], $0x100, $0x38;
	[tilespmem:$0x10200] =	vst v63  }
0xe: {  	_ =	swait.ge [sflag:s5], $0x100  }
0xf: {  	[sflag:s5] =	ssyncset.done $0x0  }
0x10: {  	s9 =	simm.s32 $0x80;
	s10 =	simm.s32 $0x200;
	[sflag:s5] =	ssyncadd.s32 $0xFFFFFF00  }
0x11: {  	[tilespmem:s10], [sflag:$0x1] =	stream.indirect.gather [hbm4b:s1+s9], $0x80, s4, s9, $0xb8;
	[tilespmem:$0x10200] =	vst v63  }
0x12: {  	s11 =	simm.s32 $0x4200  }
0x13: {  	[tilespmem:s11], [sflag:$0x1] =	stream.indirect.gather [hbm4b:s1+s9], $0x80, s9, s9, $0xb8;
	[tilespmem:$0x10200] =	vst v63  }
0x14: {  	s12 =	simm.s32 $0x8200  }
0x15: {  	[tilespmem:s12], [sflag:$0x2] =	stream.indirect.gather [hbm4b:s3+s9], $0x80, s8, s9, $0xb8;
	[tilespmem:$0x10200] =	vst v63  }
0x16: {  	s13 =	simm.s32 $0x180;
	s14 =	simm.s32 $0xC200;
	s15 =	simm.s32 $0x1  }
0x17: {  	[tilespmem:s14], [sflag:$0x2] =	stream.indirect.gather [hbm4b:s3+s9], $0x80, s13, s9, $0xb8;
	[tilespmem:$0x10200] =	vst v63  }
0x18: {  	_ =	swait.ge [sflag:s15], $0x4000  }
0x19: {  	[sflag:s15] =	ssyncset.done $0x0  }
0x1a: {  	[sflag:s15] =	ssyncadd.s32 $0xFFFFC000  }
0x1b: {  	s17 =	sshll.u32 s17, $0x4;
	_ =	swait.ge [sflag:s15], $0x4000  }
0x1c: {  	s19 =	sadd.s32 s17, s16;
	[sflag:s15] =	ssyncset.done $0x0  }
0x1d: {  	s16 =	sadd.s32 $0x2200, s19;
	[sflag:s15] =	ssyncadd.s32 $0xFFFFC000  }
0x1e: {  	[hbm4b:s16+s4] =	stream.linear.scatter [tilespmem:s10], [sflag:$0x3], $0x8000, $0x38;
	[tilespmem:$0x10200] =	vst v63  }
0x1f: {  	_ =	swait.ge [sflag:s5], $0x8000  }
0x20: {  	[sflag:s5] =	ssyncset.done $0x0  }
0x21: {  	s18 =	ssub.s32 $0x2, s18;
	s17 =	simm.s32 $0x2;
	[sflag:s5] =	ssyncadd.s32 $0xFFFF8000  }
0x22: {  	s20 =	sshrl.u32 s18, $0x1;
	_ =	swait.ge [sflag:s17], $0x4000  }
0x23: {  	s20 =	ssub.s32 s18, s20;
	[sflag:s17] =	ssyncset.done $0x0  }
0x24: {  	s31 =	smax.u32 s20, $0x1;
	[sflag:s17] =	ssyncadd.s32 $0xFFFFC000  }
0x25: {  	p0 =	sne.s32 s31, $0x1;
	_ =	swait.ge [sflag:s17], $0x4000  }
.Ltmp0:
0x26: {  	[sflag:s17] =	ssyncset.done $0x0;
	(pc) =	sbr.rel @!p0 .LBB2_2-.Ltmp0, $4  }
0x27: {  	s18 =	sadd.s32 $0x22200, s19;
	[sflag:s17] =	ssyncadd.s32 $0xFFFFC000  }
0x28: {  	[hbm4b:s18+s4] =	stream.linear.scatter [tilespmem:s12], [sflag:$0x3], $0x8000, $0x38;
	[tilespmem:$0x10200] =	vst v63  }
0x29: {  	_ =	swait.ge [sflag:s5], $0x8000  }
0x2a: {  	s19 =	sadd.s32 $0xFFFFFFFF, s31;
	[sflag:s5] =	ssyncset.done $0x0  }
.LBB2_1:
0x2b: {  	p0 =	sne.s32 s19, $0x1;
	s19 =	sadd.s32 $0xFFFFFFFF, s19;
	[sflag:s5] =	ssyncadd.s32 $0xFFFF8000  }
0x2c: {  	[tilespmem:s4], [sflag:$0x3] =	stream.linear.gather [hbm4b:s6+s4], $0x100, $0x38;
	[tilespmem:$0x10200] =	vst v63  }
0x2d: {  	_ =	swait.ge [sflag:s5], $0x100  }
0x2e: {  	[sflag:s5] =	ssyncset.done $0x0  }
0x2f: {  	[sflag:s5] =	ssyncadd.s32 $0xFFFFFF00  }
0x30: {  	[tilespmem:s8], [sflag:$0x3] =	stream.linear.gather [hbm4b:s7+s4], $0x100, $0x38;
	[tilespmem:$0x10200] =	vst v63  }
0x31: {  	_ =	swait.ge [sflag:s5], $0x100  }
0x32: {  	[sflag:s5] =	ssyncset.done $0x0  }
0x33: {  	[sflag:s5] =	ssyncadd.s32 $0xFFFFFF00  }
0x34: {  	[tilespmem:s10], [sflag:$0x1] =	stream.indirect.gather [hbm4b:s1+s9], $0x80, s4, s9, $0xb8;
	[tilespmem:$0x10200] =	vst v63  }
0x35: {  	_ = 	snop  }
0x36: {  	[tilespmem:s11], [sflag:$0x1] =	stream.indirect.gather [hbm4b:s1+s9], $0x80, s9, s9, $0xb8;
	[tilespmem:$0x10200] =	vst v63  }
0x37: {  	_ = 	snop  }
0x38: {  	[tilespmem:s12], [sflag:$0x2] =	stream.indirect.gather [hbm4b:s3+s9], $0x80, s8, s9, $0xb8;
	[tilespmem:$0x10200] =	vst v63  }
0x39: {  	_ = 	snop  }
0x3a: {  	[tilespmem:s14], [sflag:$0x2] =	stream.indirect.gather [hbm4b:s3+s9], $0x80, s13, s9, $0xb8;
	[tilespmem:$0x10200] =	vst v63  }
0x3b: {  	_ =	swait.ge [sflag:s15], $0x4000  }
0x3c: {  	[sflag:s15] =	ssyncset.done $0x0  }
0x3d: {  	[sflag:s15] =	ssyncadd.s32 $0xFFFFC000  }
0x3e: {  	_ =	swait.ge [sflag:s15], $0x4000  }
0x3f: {  	[sflag:s15] =	ssyncset.done $0x0  }
0x40: {  	[sflag:s15] =	ssyncadd.s32 $0xFFFFC000  }
0x41: {  	[hbm4b:s16+s4] =	stream.linear.scatter [tilespmem:s10], [sflag:$0x3], $0x8000, $0x38;
	[tilespmem:$0x10200] =	vst v63  }
0x42: {  	_ =	swait.ge [sflag:s5], $0x8000  }
0x43: {  	[sflag:s5] =	ssyncset.done $0x0  }
0x44: {  	[sflag:s5] =	ssyncadd.s32 $0xFFFF8000  }
0x45: {  	_ =	swait.ge [sflag:s17], $0x4000  }
0x46: {  	[sflag:s17] =	ssyncset.done $0x0  }
0x47: {  	[sflag:s17] =	ssyncadd.s32 $0xFFFFC000  }
0x48: {  	_ =	swait.ge [sflag:s17], $0x4000  }
.Ltmp1:
0x49: {  	[sflag:s17] =	ssyncset.done $0x0;
	(pc) =	sbr.rel @p0 .LBB2_1-.Ltmp1, $4  }
0x4a: {  	[sflag:s17] =	ssyncadd.s32 $0xFFFFC000  }
0x4b: {  	[hbm4b:s18+s4] =	stream.linear.scatter [tilespmem:s12], [sflag:$0x3], $0x8000, $0x38;
	[tilespmem:$0x10200] =	vst v63  }
0x4c: {  	_ =	swait.ge [sflag:s5], $0x8000  }
0x4d: {  	[sflag:s5] =	ssyncset.done $0x0  }
.LBB2_2:
0x4e: {  	[sflag:s5] =	ssyncadd.s32 $0xFFFF8000  }
0x4f: {  	_ =	sfence.sel $0x180000  }
0x50: {  	[bflag:$0x0] =	sbarrier.arrive $0xFFFF  }
0x51: {  	p0 =	sne.s32 s0, $0x0;
	_ =	strace $0x90000047  }
0x52: {  	s0 =	sadd.s32 @!p0 $0x100000, s2;
	[bflag:$0x2] =	sbarrier.arrive $0xFFFF  }
0x53: {  	[sflag:s0] =	ssyncadd.tile.s32 @!p0 $0x1;
	_ =	shalt  }
.Lfunc_end2:
_tile_overlayer_lowered:
.L_overlay_start_2:
0x54: {  	(tag) =	ssettag $0x2  }
0x55: {  	s0 =	rddreg [dreg:$0x0];
	s2 =	stileid.u32  }
0x56: {  	s1 =	rddreg [dreg:$0x1];
	p0 =	sne.s32 s2, $0x0  }
0x57: {  	s3 =	rddreg [dreg:$0x2];
	[bflag:$0x3] =	sbarrier.arrive $0xFFFF;
	s2 =	simm.s32 @!p0 $0x1C03  }
0x58: {  	[timem:s3], [sflag:s2] =	dma.local @!p0 [hbm:s0], s1  }
0x59: {  	s0 =	simm.s32 @!p0 $0x3  }
0x5a: {  	_ =	swait.ge @!p0 [sflag:s0], s1  }
0x5b: {  	s1 =	ssub.s32 @!p0 $0x0, s1;
	[sflag:s0] =	ssyncset.done @!p0 $0x0  }
0x5c: {  	[sflag:s0] =	ssyncadd.s32 @!p0 s1  }
0x5d: {  	[bflag:$0x3] =	sbarrier.arrive $0xFFFF  }
0x5e: {  	_ =	shalt  }

</sc_bundles>
